<compile_context>
chip_gen: v7x
topology: tpu7x:2x2x1
jax: 0.10.2.dev20260603
libtpu: 0.0.44.dev20260713+nightly
codegen_flags: <defaults>
</compile_context>

<pallas_src>
import functools

import jax
import jax.numpy as jnp
from jax import lax
from jax.experimental import pallas as pl
from jax.experimental.pallas import tpu as pltpu
from jax.experimental.pallas import tpu_sc as plsc

N = 10000
E = 320000
D = 128
NR = 460
RRELU_SLOPE = 11.0 / 48.0

NC = 2
NS = 16
NW = NC * NS

CHUNK = 128
CPW = (E + NW * CHUNK - 1) // (NW * CHUNK)
E_PAD = NW * CPW * CHUNK
N_PAD = 10240
DUMP = N
RPS = N_PAD // NS
NR_PAD = 512

BN = 1024
GRID = N_PAD // BN


def _l2n(x):
    n = jnp.sqrt(jnp.sum(x * x, axis=-1, keepdims=True))
    return x / jnp.maximum(n, 1e-12)



def _prep_body(e_ref, wn_ref, wl_ref, h_ref, hw_ref, hl_ref):
    h = _l2n(e_ref[...])
    h_ref[...] = h
    hw_ref[...] = jnp.dot(h, wn_ref[...], preferred_element_type=jnp.float32)
    hl_ref[...] = jnp.dot(h, wl_ref[...], preferred_element_type=jnp.float32)


def _rel_body(r_ref, w1_ref, w2_ref, o1_ref, o2_ref):
    r = r_ref[...]
    o1_ref[...] = -jnp.dot(r, w1_ref[...], preferred_element_type=jnp.float32)
    o2_ref[...] = -jnp.dot(r, w2_ref[...], preferred_element_type=jnp.float32)


def _combine_body(p0_ref, p1_ref, d0_ref, d1_ref, hl_ref, wn_ref, wl_ref,
                  hw_ref, xl_ref):
    deg = jnp.maximum(d0_ref[...] + d1_ref[...], 1.0)
    t = (p0_ref[...] + p1_ref[...]) / deg + hl_ref[...]
    t = jnp.where(t >= 0, t, t * RRELU_SLOPE)
    x = _l2n(t)
    hw_ref[...] = jnp.dot(x, wn_ref[...], preferred_element_type=jnp.float32)
    xl_ref[...] = jnp.dot(x, wl_ref[...], preferred_element_type=jnp.float32)


def _final_body(p0_ref, p1_ref, d0_ref, d1_ref, xl_ref, h_ref,
                wi_ref, wh_ref, bi_ref, bh_ref, o_ref):
    deg = jnp.maximum(d0_ref[...] + d1_ref[...], 1.0)
    t = (p0_ref[...] + p1_ref[...]) / deg + xl_ref[...]
    t = jnp.where(t >= 0, t, t * RRELU_SLOPE)
    x = _l2n(t)
    h = h_ref[...]
    dn = (((1,), (1,)), ((), ()))
    gi = lax.dot_general(x, wi_ref[...], dn,
                         preferred_element_type=jnp.float32) + bi_ref[...]
    gh = lax.dot_general(h, wh_ref[...], dn,
                         preferred_element_type=jnp.float32) + bh_ref[...]
    rg = jax.nn.sigmoid(gi[:, :D] + gh[:, :D])
    zg = jax.nn.sigmoid(gi[:, D:2 * D] + gh[:, D:2 * D])
    ng = jnp.tanh(gi[:, 2 * D:] + rg * gh[:, 2 * D:])
    o_ref[...] = _l2n((1.0 - zg) * ng + zg * h)


def _row_spec(n=BN, d=D):
    return pl.BlockSpec((n, d), lambda i: (i, 0))


def _full_spec(shape):
    return pl.BlockSpec(shape, lambda i: tuple(0 for _ in shape))


_f32 = jnp.float32


def _prep_call(ent_pad, wn1, wl1):
    return pl.pallas_call(
        _prep_body,
        grid=(GRID,),
        in_specs=[_row_spec(), _full_spec((D, D)), _full_spec((D, D))],
        out_specs=[_row_spec(), _row_spec(), _row_spec()],
        out_shape=[jax.ShapeDtypeStruct((N_PAD, D), _f32)] * 3,
    )(ent_pad, wn1, wl1)


def _rel_call(rel_pad, wn1, wn2):
    return pl.pallas_call(
        _rel_body,
        grid=(1,),
        in_specs=[_full_spec((NR_PAD, D)), _full_spec((D, D)),
                  _full_spec((D, D))],
        out_specs=[_full_spec((NR_PAD, D))] * 2,
        out_shape=[jax.ShapeDtypeStruct((NR_PAD, D), _f32)] * 2,
    )(rel_pad, wn1, wn2)


def _combine_call(p0, p1, d0, d1, hl, wn2, wl2):
    dspec = pl.BlockSpec((BN, 1), lambda i: (i, 0))
    return pl.pallas_call(
        _combine_body,
        grid=(GRID,),
        in_specs=[_row_spec(), _row_spec(), dspec, dspec, _row_spec(),
                  _full_spec((D, D)), _full_spec((D, D))],
        out_specs=[_row_spec(), _row_spec()],
        out_shape=[jax.ShapeDtypeStruct((N_PAD, D), _f32)] * 2,
    )(p0, p1, d0, d1, hl, wn2, wl2)


def _final_call(q0, q1, d0, d1, xl2, h, wi, wh, bi, bh):
    dspec = pl.BlockSpec((BN, 1), lambda i: (i, 0))
    return pl.pallas_call(
        _final_body,
        grid=(GRID,),
        in_specs=[_row_spec(), _row_spec(), dspec, dspec, _row_spec(),
                  _row_spec(), _full_spec((3 * D, D)), _full_spec((3 * D, D)),
                  _full_spec((1, 3 * D)), _full_spec((1, 3 * D))],
        out_specs=[_row_spec()],
        out_shape=[jax.ShapeDtypeStruct((N_PAD, D), _f32)],
    )(q0, q1, d0, d1, xl2, h, wi, wh, bi, bh)



def _sc_body(hw_hbm, nrw_hbm, srci, dsti, eti, zrow, zvec, agg_out, deg_out,
             srcv, dstv, etv, bufa, ones_v, agg_sh, deg_sh):
    c = lax.axis_index("c")
    s = lax.axis_index("s")
    wid = c * NS + s
    pltpu.sync_copy(srci.at[wid], srcv)
    pltpu.sync_copy(dsti.at[wid], dstv)
    pltpu.sync_copy(eti.at[wid], etv)
    base = s * RPS
    pltpu.sync_copy(zrow, agg_sh.at[pl.ds(base, RPS)])
    pltpu.sync_copy(zvec, deg_sh.at[pl.ds(base, RPS)])
    for i in range(0, CHUNK, 16):
        ones_v[pl.ds(i, 16)] = jnp.ones((16,), _f32)
    plsc.subcore_barrier()

    @pl.loop(0, CPW)
    def _edge_chunk(j):
        pltpu.sync_copy(hw_hbm.at[srcv.at[j]], bufa)
        pltpu.sync_copy(bufa, agg_sh.at[dstv.at[j]], add=True)
        pltpu.sync_copy(nrw_hbm.at[etv.at[j]], bufa)
        pltpu.sync_copy(bufa, agg_sh.at[dstv.at[j]], add=True)
        pltpu.sync_copy(ones_v, deg_sh.at[dstv.at[j]], add=True)

    plsc.subcore_barrier()
    pltpu.sync_copy(agg_sh.at[pl.ds(base, RPS)],
                    agg_out.at[c].at[pl.ds(base, RPS)])
    pltpu.sync_copy(deg_sh.at[pl.ds(base, RPS)],
                    deg_out.at[c].at[pl.ds(base, RPS)])


_sc_segsum = functools.partial(
    pl.kernel,
    mesh=plsc.VectorSubcoreMesh(core_axis_name="c", subcore_axis_name="s",
                                num_cores=NC, num_subcores=NS),
    out_type=[jax.ShapeDtypeStruct((NC, N_PAD, D), _f32),
              jax.ShapeDtypeStruct((NC, N_PAD), _f32)],
    scratch_types=[
        pltpu.VMEM((CPW, CHUNK), jnp.int32),
        pltpu.VMEM((CPW, CHUNK), jnp.int32),
        pltpu.VMEM((CPW, CHUNK), jnp.int32),
        pltpu.VMEM((CHUNK, D), _f32),
        pltpu.VMEM((CHUNK,), _f32),
        pltpu.VMEM_SHARED((N_PAD, D), _f32),
        pltpu.VMEM_SHARED((N_PAD,), _f32),
    ],
)(_sc_body)



def kernel(ent_emb, rel_emb, W_neigh1, W_loop1, W_neigh2, W_loop2,
           gru_Wi, gru_Wh, gru_bi, gru_bh, node_id, edge_index, edge_type):
    del node_id
    src = edge_index[0]
    dst = edge_index[1]
    pad = E_PAD - E
    srci = jnp.concatenate([src, jnp.zeros((pad,), jnp.int32)])
    dsti = jnp.concatenate([dst, jnp.full((pad,), DUMP, jnp.int32)])
    eti = jnp.concatenate([edge_type, jnp.zeros((pad,), jnp.int32)])
    srci = srci.reshape(NW, CPW, CHUNK)
    dsti = dsti.reshape(NW, CPW, CHUNK)
    eti = eti.reshape(NW, CPW, CHUNK)

    ent_pad = jnp.zeros((N_PAD, D), _f32).at[:N].set(ent_emb)
    rel_pad = jnp.zeros((NR_PAD, D), _f32).at[:NR].set(rel_emb)
    zrow = jnp.zeros((RPS, D), _f32)
    zvec = jnp.zeros((RPS,), _f32)
    bi = gru_bi.reshape(1, 3 * D)
    bh = gru_bh.reshape(1, 3 * D)

    h, hw1, hl1 = _prep_call(ent_pad, W_neigh1, W_loop1)
    nrw1, nrw2 = _rel_call(rel_pad, W_neigh1, W_neigh2)

    agg1, deg1 = _sc_segsum(hw1, nrw1, srci, dsti, eti, zrow, zvec)
    d0 = deg1[0].reshape(N_PAD, 1)
    d1 = deg1[1].reshape(N_PAD, 1)

    hw2, xl2 = _combine_call(agg1[0], agg1[1], d0, d1, hl1, W_neigh2, W_loop2)

    agg2, _ = _sc_segsum(hw2, nrw2, srci, dsti, eti, zrow, zvec)

    (out,) = _final_call(agg2[0], agg2[1], d0, d1, xl2, h,
                         gru_Wi, gru_Wh, bi, bh)
    return out[:N]

# --- scband reference (transcript-rebuilt; emitter-appended) ---
"""Pipeline reference for scband-recurrent-rgcn-50276887167213 (READ-ONLY COPY).

The authoritative reference and input builder live on the scoring server;
editing this copy changes nothing except your own understanding.
"""

import jax, jax.numpy as jnp
import numpy as np

N = 10000
E = 320000
D = 128
R = 230
RRELU_SLOPE = 11.0 / 48.0  # torch rrelu eval slope: (1/8 + 1/3) / 2


def _l2norm(x):
    n = jnp.linalg.norm(x, axis=-1, keepdims=True)
    return x / jnp.clip(n, 1e-12)


def setup_inputs(seed: int = 0) -> dict:
    key = jax.random.key(seed)
    ks = jax.random.split(key, 12)
    node_id = jnp.arange(N, dtype=jnp.int32)
    edge_index = jax.random.randint(ks[0], (2, E), 0, N, dtype=jnp.int32)
    edge_type = jax.random.randint(ks[1], (E,), 0, 2 * R, dtype=jnp.int32)
    # learned parameters (per init_kwargs: num_ents=10000, num_rels=230, h_dim=128)
    ent_emb = jax.random.normal(ks[2], (N, D), dtype=jnp.float32) * 0.02
    rel_emb = jax.random.normal(ks[3], (2 * R, D), dtype=jnp.float32) * 0.02
    s = 1.0 / np.sqrt(D)
    W_neigh1 = jax.random.normal(ks[4], (D, D), dtype=jnp.float32) * s
    W_loop1 = jax.random.normal(ks[5], (D, D), dtype=jnp.float32) * s
    W_neigh2 = jax.random.normal(ks[6], (D, D), dtype=jnp.float32) * s
    W_loop2 = jax.random.normal(ks[7], (D, D), dtype=jnp.float32) * s
    gru_Wi = jax.random.normal(ks[8], (3 * D, D), dtype=jnp.float32) * s
    gru_Wh = jax.random.normal(ks[9], (3 * D, D), dtype=jnp.float32) * s
    gru_bi = jnp.zeros((3 * D,), dtype=jnp.float32)
    gru_bh = jnp.zeros((3 * D,), dtype=jnp.float32)
    return {
        "ent_emb": ent_emb, "rel_emb": rel_emb,
        "W_neigh1": W_neigh1, "W_loop1": W_loop1,
        "W_neigh2": W_neigh2, "W_loop2": W_loop2,
        "gru_Wi": gru_Wi, "gru_Wh": gru_Wh, "gru_bi": gru_bi, "gru_bh": gru_bh,
        "node_id": node_id, "edge_index": edge_index, "edge_type": edge_type,
    }


def _rgcn_layer(h, r, src, dst, etype, W_neigh, W_loop):
    # UnionRGCNLayer, opn='sub': msg = (h_src - rel[etype]) @ W_neigh, mean-agg by dst
    msg = (h[src] - r[etype]) @ W_neigh
    agg = jax.ops.segment_sum(msg, dst, num_segments=N)
    deg = jax.ops.segment_sum(jnp.ones((msg.shape[0],), dtype=msg.dtype), dst, num_segments=N)
    agg = agg / jnp.clip(deg, 1.0)[:, None]
    out = agg + h @ W_loop  # self loop
    out = jnp.where(out >= 0, out, out * RRELU_SLOPE)  # rrelu (eval mode)
    return out


def _gru_cell(x, hprev, Wi, Wh, bi, bh):
    gi = x @ Wi.T + bi
    gh = hprev @ Wh.T + bh
    i_r, i_z, i_n = jnp.split(gi, 3, axis=-1)
    h_r, h_z, h_n = jnp.split(gh, 3, axis=-1)
    rg = jax.nn.sigmoid(i_r + h_r)
    zg = jax.nn.sigmoid(i_z + h_z)
    ng = jnp.tanh(i_n + rg * h_n)
    return (1.0 - zg) * ng + zg * hprev


def reference(ent_emb, rel_emb, W_neigh1, W_loop1, W_neigh2, W_loop2,
              gru_Wi, gru_Wh, gru_bi, gru_bh, node_id, edge_index, edge_type):
    src = edge_index[0]
    dst = edge_index[1]
    h = _l2norm(ent_emb)            # layer_norm=True: F.normalize on dynamic emb
    h0 = h[node_id]                 # g.ndata['h'] = init_ent_emb[node_id]
    x = _rgcn_layer(h0, rel_emb, src, dst, edge_type, W_neigh1, W_loop1)
    x = _l2norm(x)
    x = _rgcn_layer(x, rel_emb, src, dst, edge_type, W_neigh2, W_loop2)
    x = _l2norm(x)
    # recurrent entity cell (GRU) over evolved entity states
    h_new = _gru_cell(x, h, gru_Wi, gru_Wh, gru_bi, gru_bh)
    h_new = _l2norm(h_new)
    return h_new

if __name__ == "__main__":
    import jax
    _d = setup_inputs()
    print(jax.jit(kernel)(*tuple(_d.values())))

</pallas_src>

<mosaic_0001>
#map = affine_map<(d0, d1) -> (0, 0)>
#map1 = affine_map<(d0, d1) -> (0, 0, 0)>
#map2 = affine_map<(d0, d1) -> (0)>
module attributes {stable_mosaic.version = 14 : i64} {
  func.func @_sc_body(%arg0: i32, %arg1: i32, %arg2: memref<10240x128xf32, #tpu.memory_space<hbm>>, %arg3: memref<512x128xf32, #tpu.memory_space<hbm>>, %arg4: memref<32x79x128xi32, #tpu.memory_space<hbm>>, %arg5: memref<32x79x128xi32, #tpu.memory_space<hbm>>, %arg6: memref<32x79x128xi32, #tpu.memory_space<hbm>>, %arg7: memref<640x128xf32, #tpu.memory_space<hbm>>, %arg8: memref<640xf32, #tpu.memory_space<hbm>>, %arg9: memref<2x10240x128xf32, #tpu.memory_space<hbm>>, %arg10: memref<2x10240xf32, #tpu.memory_space<hbm>>, %arg11: memref<79x128xi32, #tpu.memory_space<vmem>>, %arg12: memref<79x128xi32, #tpu.memory_space<vmem>>, %arg13: memref<79x128xi32, #tpu.memory_space<vmem>>, %arg14: memref<128x128xf32, #tpu.memory_space<vmem>>, %arg15: memref<128xf32, #tpu.memory_space<vmem>>, %arg16: memref<10240x128xf32, #tpu.memory_space<vmem_shared>>, %arg17: memref<10240xf32, #tpu.memory_space<vmem_shared>>) attributes {dimension_semantics = [#tpu.dimension_semantics<core_parallel>, #tpu.dimension_semantics<subcore_parallel>], iteration_bounds = array<i64: 2, 16>, scalar_prefetch = 0 : i64, scratch_operands = 7 : i64, tpu.core_type = #tpu.core_type<sc_vector_subcore>, window_params = [{transform_indices = #map}, {transform_indices = #map}, {transform_indices = #map1}, {transform_indices = #map1}, {transform_indices = #map1}, {transform_indices = #map}, {transform_indices = #map2}, {transform_indices = #map1}, {transform_indices = #map}]} {
    %mul3A = arith.constant 16 : i32
    %mul3A_0 = arith.muli %arg0, %mul3A : i32
    %add3A = arith.addi %mul3A_0, %arg1 : i32
    "tpu.region"() ({
      %run_scoped3A = tpu.sem_alloc : memref<!tpu.dma_semaphore, #tpu.memory_space<semaphore_mem>>
      %dma_start3A = arith.constant 0 : i32
      %dma_start3A_54 = arith.constant 0 : i32
      %dma_start3A_55 = tpu.memref_slice %arg4[%add3A, %dma_start3A, %dma_start3A_54] : memref<32x79x128xi32, #tpu.memory_space<hbm>> -> memref<1x79x128xi32, #tpu.memory_space<hbm>>
      %dma_start3A_56 = tpu.memref_squeeze %dma_start3A_55 : memref<1x79x128xi32, #tpu.memory_space<hbm>> -> memref<79x128xi32, #tpu.memory_space<hbm>>
      %dma_start3A_57 = arith.constant 0 : i32
      %dma_start3A_58 = arith.constant 0 : i32
      %dma_start3A_59 = tpu.memref_slice %arg4[%add3A, %dma_start3A_57, %dma_start3A_58] : memref<32x79x128xi32, #tpu.memory_space<hbm>> -> memref<1x79x128xi32, #tpu.memory_space<hbm>>
      %dma_start3A_60 = tpu.memref_squeeze %dma_start3A_59 : memref<1x79x128xi32, #tpu.memory_space<hbm>> -> memref<79x128xi32, #tpu.memory_space<hbm>>
      tpu.enqueue_dma source(%dma_start3A_60 : memref<79x128xi32, #tpu.memory_space<hbm>>) target(%arg11 : memref<79x128xi32, #tpu.memory_space<vmem>>) target_semaphore(%run_scoped3A : memref<!tpu.dma_semaphore, #tpu.memory_space<semaphore_mem>>)
      %dma_wait3A = arith.constant 0 : i32
      %dma_wait3A_61 = arith.constant 0 : i32
      %dma_wait3A_62 = tpu.memref_slice %arg4[%add3A, %dma_wait3A, %dma_wait3A_61] : memref<32x79x128xi32, #tpu.memory_space<hbm>> -> memref<1x79x128xi32, #tpu.memory_space<hbm>>
      %dma_wait3A_63 = tpu.memref_squeeze %dma_wait3A_62 : memref<1x79x128xi32, #tpu.memory_space<hbm>> -> memref<79x128xi32, #tpu.memory_space<hbm>>
      %dma_wait3A_64 = arith.constant 0 : i32
      %dma_wait3A_65 = arith.constant 0 : i32
      %dma_wait3A_66 = tpu.memref_slice %arg4[%add3A, %dma_wait3A_64, %dma_wait3A_65] : memref<32x79x128xi32, #tpu.memory_space<hbm>> -> memref<1x79x128xi32, #tpu.memory_space<hbm>>
      %dma_wait3A_67 = tpu.memref_squeeze %dma_wait3A_66 : memref<1x79x128xi32, #tpu.memory_space<hbm>> -> memref<79x128xi32, #tpu.memory_space<hbm>>
      tpu.wait_dma2 semaphore(%run_scoped3A : memref<!tpu.dma_semaphore, #tpu.memory_space<semaphore_mem>>) src(%dma_wait3A_67 : memref<79x128xi32, #tpu.memory_space<hbm>>) dst(%arg11 : memref<79x128xi32, #tpu.memory_space<vmem>>)
      tpu.yield
    }) : () -> ()
    "tpu.region"() ({
      %run_scoped3A = tpu.sem_alloc : memref<!tpu.dma_semaphore, #tpu.memory_space<semaphore_mem>>
      %dma_start3A = arith.constant 0 : i32
      %dma_start3A_54 = arith.constant 0 : i32
      %dma_start3A_55 = tpu.memref_slice %arg5[%add3A, %dma_start3A, %dma_start3A_54] : memref<32x79x128xi32, #tpu.memory_space<hbm>> -> memref<1x79x128xi32, #tpu.memory_space<hbm>>
      %dma_start3A_56 = tpu.memref_squeeze %dma_start3A_55 : memref<1x79x128xi32, #tpu.memory_space<hbm>> -> memref<79x128xi32, #tpu.memory_space<hbm>>
      %dma_start3A_57 = arith.constant 0 : i32
      %dma_start3A_58 = arith.constant 0 : i32
      %dma_start3A_59 = tpu.memref_slice %arg5[%add3A, %dma_start3A_57, %dma_start3A_58] : memref<32x79x128xi32, #tpu.memory_space<hbm>> -> memref<1x79x128xi32, #tpu.memory_space<hbm>>
      %dma_start3A_60 = tpu.memref_squeeze %dma_start3A_59 : memref<1x79x128xi32, #tpu.memory_space<hbm>> -> memref<79x128xi32, #tpu.memory_space<hbm>>
      tpu.enqueue_dma source(%dma_start3A_60 : memref<79x128xi32, #tpu.memory_space<hbm>>) target(%arg12 : memref<79x128xi32, #tpu.memory_space<vmem>>) target_semaphore(%run_scoped3A : memref<!tpu.dma_semaphore, #tpu.memory_space<semaphore_mem>>)
      %dma_wait3A = arith.constant 0 : i32
      %dma_wait3A_61 = arith.constant 0 : i32
      %dma_wait3A_62 = tpu.memref_slice %arg5[%add3A, %dma_wait3A, %dma_wait3A_61] : memref<32x79x128xi32, #tpu.memory_space<hbm>> -> memref<1x79x128xi32, #tpu.memory_space<hbm>>
      %dma_wait3A_63 = tpu.memref_squeeze %dma_wait3A_62 : memref<1x79x128xi32, #tpu.memory_space<hbm>> -> memref<79x128xi32, #tpu.memory_space<hbm>>
      %dma_wait3A_64 = arith.constant 0 : i32
      %dma_wait3A_65 = arith.constant 0 : i32
      %dma_wait3A_66 = tpu.memref_slice %arg5[%add3A, %dma_wait3A_64, %dma_wait3A_65] : memref<32x79x128xi32, #tpu.memory_space<hbm>> -> memref<1x79x128xi32, #tpu.memory_space<hbm>>
      %dma_wait3A_67 = tpu.memref_squeeze %dma_wait3A_66 : memref<1x79x128xi32, #tpu.memory_space<hbm>> -> memref<79x128xi32, #tpu.memory_space<hbm>>
      tpu.wait_dma2 semaphore(%run_scoped3A : memref<!tpu.dma_semaphore, #tpu.memory_space<semaphore_mem>>) src(%dma_wait3A_67 : memref<79x128xi32, #tpu.memory_space<hbm>>) dst(%arg12 : memref<79x128xi32, #tpu.memory_space<vmem>>)
      tpu.yield
    }) : () -> ()
    "tpu.region"() ({
      %run_scoped3A = tpu.sem_alloc : memref<!tpu.dma_semaphore, #tpu.memory_space<semaphore_mem>>
      %dma_start3A = arith.constant 0 : i32
      %dma_start3A_54 = arith.constant 0 : i32
      %dma_start3A_55 = tpu.memref_slice %arg6[%add3A, %dma_start3A, %dma_start3A_54] : memref<32x79x128xi32, #tpu.memory_space<hbm>> -> memref<1x79x128xi32, #tpu.memory_space<hbm>>
      %dma_start3A_56 = tpu.memref_squeeze %dma_start3A_55 : memref<1x79x128xi32, #tpu.memory_space<hbm>> -> memref<79x128xi32, #tpu.memory_space<hbm>>
      %dma_start3A_57 = arith.constant 0 : i32
      %dma_start3A_58 = arith.constant 0 : i32
      %dma_start3A_59 = tpu.memref_slice %arg6[%add3A, %dma_start3A_57, %dma_start3A_58] : memref<32x79x128xi32, #tpu.memory_space<hbm>> -> memref<1x79x128xi32, #tpu.memory_space<hbm>>
      %dma_start3A_60 = tpu.memref_squeeze %dma_start3A_59 : memref<1x79x128xi32, #tpu.memory_space<hbm>> -> memref<79x128xi32, #tpu.memory_space<hbm>>
      tpu.enqueue_dma source(%dma_start3A_60 : memref<79x128xi32, #tpu.memory_space<hbm>>) target(%arg13 : memref<79x128xi32, #tpu.memory_space<vmem>>) target_semaphore(%run_scoped3A : memref<!tpu.dma_semaphore, #tpu.memory_space<semaphore_mem>>)
      %dma_wait3A = arith.constant 0 : i32
      %dma_wait3A_61 = arith.constant 0 : i32
      %dma_wait3A_62 = tpu.memref_slice %arg6[%add3A, %dma_wait3A, %dma_wait3A_61] : memref<32x79x128xi32, #tpu.memory_space<hbm>> -> memref<1x79x128xi32, #tpu.memory_space<hbm>>
      %dma_wait3A_63 = tpu.memref_squeeze %dma_wait3A_62 : memref<1x79x128xi32, #tpu.memory_space<hbm>> -> memref<79x128xi32, #tpu.memory_space<hbm>>
      %dma_wait3A_64 = arith.constant 0 : i32
      %dma_wait3A_65 = arith.constant 0 : i32
      %dma_wait3A_66 = tpu.memref_slice %arg6[%add3A, %dma_wait3A_64, %dma_wait3A_65] : memref<32x79x128xi32, #tpu.memory_space<hbm>> -> memref<1x79x128xi32, #tpu.memory_space<hbm>>
      %dma_wait3A_67 = tpu.memref_squeeze %dma_wait3A_66 : memref<1x79x128xi32, #tpu.memory_space<hbm>> -> memref<79x128xi32, #tpu.memory_space<hbm>>
      tpu.wait_dma2 semaphore(%run_scoped3A : memref<!tpu.dma_semaphore, #tpu.memory_space<semaphore_mem>>) src(%dma_wait3A_67 : memref<79x128xi32, #tpu.memory_space<hbm>>) dst(%arg13 : memref<79x128xi32, #tpu.memory_space<vmem>>)
      tpu.yield
    }) : () -> ()
    %mul3A_1 = arith.constant 640 : i32
    %mul3A_2 = arith.muli %arg1, %mul3A_1 : i32
    "tpu.region"() ({
      %run_scoped3A = tpu.sem_alloc : memref<!tpu.dma_semaphore, #tpu.memory_space<semaphore_mem>>
      %dma_start3A = arith.constant 0 : i32
      %dma_start3A_54 = tpu.memref_slice %arg16[%mul3A_2, %dma_start3A] : memref<10240x128xf32, #tpu.memory_space<vmem_shared>> -> memref<640x128xf32, #tpu.memory_space<vmem_shared>>
      tpu.enqueue_dma source(%arg7 : memref<640x128xf32, #tpu.memory_space<hbm>>) target(%dma_start3A_54 : memref<640x128xf32, #tpu.memory_space<vmem_shared>>) target_semaphore(%run_scoped3A : memref<!tpu.dma_semaphore, #tpu.memory_space<semaphore_mem>>)
      %dma_wait3A = arith.constant 0 : i32
      %dma_wait3A_55 = tpu.memref_slice %arg16[%mul3A_2, %dma_wait3A] : memref<10240x128xf32, #tpu.memory_space<vmem_shared>> -> memref<640x128xf32, #tpu.memory_space<vmem_shared>>
      tpu.wait_dma2 semaphore(%run_scoped3A : memref<!tpu.dma_semaphore, #tpu.memory_space<semaphore_mem>>) src(%arg7 : memref<640x128xf32, #tpu.memory_space<hbm>>) dst(%dma_wait3A_55 : memref<640x128xf32, #tpu.memory_space<vmem_shared>>)
      tpu.yield
    }) : () -> ()
    "tpu.region"() ({
      %run_scoped3A = tpu.sem_alloc : memref<!tpu.dma_semaphore, #tpu.memory_space<semaphore_mem>>
      %dma_start3A = tpu.memref_slice %arg17[%mul3A_2] : memref<10240xf32, #tpu.memory_space<vmem_shared>> -> memref<640xf32, #tpu.memory_space<vmem_shared>>
      tpu.enqueue_dma source(%arg8 : memref<640xf32, #tpu.memory_space<hbm>>) target(%dma_start3A : memref<640xf32, #tpu.memory_space<vmem_shared>>) target_semaphore(%run_scoped3A : memref<!tpu.dma_semaphore, #tpu.memory_space<semaphore_mem>>)
      %dma_wait3A = tpu.memref_slice %arg17[%mul3A_2] : memref<10240xf32, #tpu.memory_space<vmem_shared>> -> memref<640xf32, #tpu.memory_space<vmem_shared>>
      tpu.wait_dma2 semaphore(%run_scoped3A : memref<!tpu.dma_semaphore, #tpu.memory_space<semaphore_mem>>) src(%arg8 : memref<640xf32, #tpu.memory_space<hbm>>) dst(%dma_wait3A : memref<640xf32, #tpu.memory_space<vmem_shared>>)
      tpu.yield
    }) : () -> ()
    %broadcast_in_dim3A = arith.constant 1.000000e+00 : f32
    %broadcast_in_dim3A_3 = vector.broadcast %broadcast_in_dim3A : f32 to vector<16xf32>
    %swap3A = arith.constant 0 : index
    %swap3A_4 = tpu.vector_load %arg15[%swap3A] {strides = array<i32>} : memref<128xf32, #tpu.memory_space<vmem>>, vector<16xf32>,
    %swap3A_5 = vector.shape_cast %swap3A_4 : vector<16xf32> to vector<16xf32>
    %swap3A_6 = vector.shape_cast %broadcast_in_dim3A_3 : vector<16xf32> to vector<16xf32>
    tpu.vector_store %arg15[%swap3A], %swap3A_6 {strides = array<i32>} : memref<128xf32, #tpu.memory_space<vmem>>, vector<16xf32>,
    %broadcast_in_dim3A_7 = arith.constant 1.000000e+00 : f32
    %broadcast_in_dim3A_8 = vector.broadcast %broadcast_in_dim3A_7 : f32 to vector<16xf32>
    %swap3A_9 = arith.constant 16 : index
    %swap3A_10 = tpu.vector_load %arg15[%swap3A_9] {strides = array<i32>} : memref<128xf32, #tpu.memory_space<vmem>>, vector<16xf32>,
    %swap3A_11 = vector.shape_cast %swap3A_10 : vector<16xf32> to vector<16xf32>
    %swap3A_12 = vector.shape_cast %broadcast_in_dim3A_8 : vector<16xf32> to vector<16xf32>
    tpu.vector_store %arg15[%swap3A_9], %swap3A_12 {strides = array<i32>} : memref<128xf32, #tpu.memory_space<vmem>>, vector<16xf32>,
    %broadcast_in_dim3A_13 = arith.constant 1.000000e+00 : f32
    %broadcast_in_dim3A_14 = vector.broadcast %broadcast_in_dim3A_13 : f32 to vector<16xf32>
    %swap3A_15 = arith.constant 32 : index
    %swap3A_16 = tpu.vector_load %arg15[%swap3A_15] {strides = array<i32>} : memref<128xf32, #tpu.memory_space<vmem>>, vector<16xf32>,
    %swap3A_17 = vector.shape_cast %swap3A_16 : vector<16xf32> to vector<16xf32>
    %swap3A_18 = vector.shape_cast %broadcast_in_dim3A_14 : vector<16xf32> to vector<16xf32>
    tpu.vector_store %arg15[%swap3A_15], %swap3A_18 {strides = array<i32>} : memref<128xf32, #tpu.memory_space<vmem>>, vector<16xf32>,
    %broadcast_in_dim3A_19 = arith.constant 1.000000e+00 : f32
    %broadcast_in_dim3A_20 = vector.broadcast %broadcast_in_dim3A_19 : f32 to vector<16xf32>
    %swap3A_21 = arith.constant 48 : index
    %swap3A_22 = tpu.vector_load %arg15[%swap3A_21] {strides = array<i32>} : memref<128xf32, #tpu.memory_space<vmem>>, vector<16xf32>,
    %swap3A_23 = vector.shape_cast %swap3A_22 : vector<16xf32> to vector<16xf32>
    %swap3A_24 = vector.shape_cast %broadcast_in_dim3A_20 : vector<16xf32> to vector<16xf32>
    tpu.vector_store %arg15[%swap3A_21], %swap3A_24 {strides = array<i32>} : memref<128xf32, #tpu.memory_space<vmem>>, vector<16xf32>,
    %broadcast_in_dim3A_25 = arith.constant 1.000000e+00 : f32
    %broadcast_in_dim3A_26 = vector.broadcast %broadcast_in_dim3A_25 : f32 to vector<16xf32>
    %swap3A_27 = arith.constant 64 : index
    %swap3A_28 = tpu.vector_load %arg15[%swap3A_27] {strides = array<i32>} : memref<128xf32, #tpu.memory_space<vmem>>, vector<16xf32>,
    %swap3A_29 = vector.shape_cast %swap3A_28 : vector<16xf32> to vector<16xf32>
    %swap3A_30 = vector.shape_cast %broadcast_in_dim3A_26 : vector<16xf32> to vector<16xf32>
    tpu.vector_store %arg15[%swap3A_27], %swap3A_30 {strides = array<i32>} : memref<128xf32, #tpu.memory_space<vmem>>, vector<16xf32>,
    %broadcast_in_dim3A_31 = arith.constant 1.000000e+00 : f32
    %broadcast_in_dim3A_32 = vector.broadcast %broadcast_in_dim3A_31 : f32 to vector<16xf32>
    %swap3A_33 = arith.constant 80 : index
    %swap3A_34 = tpu.vector_load %arg15[%swap3A_33] {strides = array<i32>} : memref<128xf32, #tpu.memory_space<vmem>>, vector<16xf32>,
    %swap3A_35 = vector.shape_cast %swap3A_34 : vector<16xf32> to vector<16xf32>
    %swap3A_36 = vector.shape_cast %broadcast_in_dim3A_32 : vector<16xf32> to vector<16xf32>
    tpu.vector_store %arg15[%swap3A_33], %swap3A_36 {strides = array<i32>} : memref<128xf32, #tpu.memory_space<vmem>>, vector<16xf32>,
    %broadcast_in_dim3A_37 = arith.constant 1.000000e+00 : f32
    %broadcast_in_dim3A_38 = vector.broadcast %broadcast_in_dim3A_37 : f32 to vector<16xf32>
    %swap3A_39 = arith.constant 96 : index
    %swap3A_40 = tpu.vector_load %arg15[%swap3A_39] {strides = array<i32>} : memref<128xf32, #tpu.memory_space<vmem>>, vector<16xf32>,
    %swap3A_41 = vector.shape_cast %swap3A_40 : vector<16xf32> to vector<16xf32>
    %swap3A_42 = vector.shape_cast %broadcast_in_dim3A_38 : vector<16xf32> to vector<16xf32>
    tpu.vector_store %arg15[%swap3A_39], %swap3A_42 {strides = array<i32>} : memref<128xf32, #tpu.memory_space<vmem>>, vector<16xf32>,
    %broadcast_in_dim3A_43 = arith.constant 1.000000e+00 : f32
    %broadcast_in_dim3A_44 = vector.broadcast %broadcast_in_dim3A_43 : f32 to vector<16xf32>
    %swap3A_45 = arith.constant 112 : index
    %swap3A_46 = tpu.vector_load %arg15[%swap3A_45] {strides = array<i32>} : memref<128xf32, #tpu.memory_space<vmem>>, vector<16xf32>,
    %swap3A_47 = vector.shape_cast %swap3A_46 : vector<16xf32> to vector<16xf32>
    %swap3A_48 = vector.shape_cast %broadcast_in_dim3A_44 : vector<16xf32> to vector<16xf32>
    tpu.vector_store %arg15[%swap3A_45], %swap3A_48 {strides = array<i32>} : memref<128xf32, #tpu.memory_space<vmem>>, vector<16xf32>,
    %barrier3A = arith.constant 0 : index
    tpu.barrier barrier_id(%barrier3A)
    %scan3A = arith.constant 0 : i32
    %scan3A_49 = arith.constant 79 : i32
    %scan3A_50 = arith.addi %scan3A, %scan3A_49 : i32
    %scan3A_51 = arith.constant 1 : i32
    scf.for %scan3A_54 = %scan3A to %scan3A_50 step %scan3A_51  : i32 {
      %mul3A_55 = arith.constant 1 : i32
      %mul3A_56 = arith.muli %scan3A_54, %mul3A_55 : i32
      %add3A_57 = arith.constant 0 : i32
      %add3A_58 = arith.addi %add3A_57, %mul3A_56 : i32
      "tpu.region"() ({
        %run_scoped3A = tpu.sem_alloc : memref<!tpu.dma_semaphore, #tpu.memory_space<semaphore_mem>>
        %dma_start3A = arith.constant 0 : i32
        %dma_start3A_59 = tpu.memref_slice %arg11[%add3A_58, %dma_start3A] : memref<79x128xi32, #tpu.memory_space<vmem>> -> memref<1x128xi32, #tpu.memory_space<vmem>>
        %dma_start3A_60 = tpu.memref_squeeze %dma_start3A_59 : memref<1x128xi32, #tpu.memory_space<vmem>> -> memref<128xi32, #tpu.memory_space<vmem>>
        %dma_start3A_61 = arith.constant 0 : i32
        %dma_start3A_62 = arith.constant 0 : i32
        %dma_start3A_63 = tpu.memref_slice %arg2[%dma_start3A_61, %dma_start3A_62] : memref<10240x128xf32, #tpu.memory_space<hbm>> -> memref<10240x128xf32, #tpu.memory_space<hbm>>
        tpu.enqueue_indirect_dma source(%dma_start3A_63 : memref<10240x128xf32, #tpu.memory_space<hbm>>) target(%arg14 : memref<128x128xf32, #tpu.memory_space<vmem>>) offsets(%dma_start3A_60 : memref<128xi32, #tpu.memory_space<vmem>>) semaphore(%run_scoped3A : memref<!tpu.dma_semaphore, #tpu.memory_space<semaphore_mem>>)
        %dma_wait3A = arith.constant 0 : i32
        %dma_wait3A_64 = tpu.memref_slice %arg11[%add3A_58, %dma_wait3A] : memref<79x128xi32, #tpu.memory_space<vmem>> -> memref<1x128xi32, #tpu.memory_space<vmem>>
        %dma_wait3A_65 = tpu.memref_squeeze %dma_wait3A_64 : memref<1x128xi32, #tpu.memory_space<vmem>> -> memref<128xi32, #tpu.memory_space<vmem>>
        %dma_wait3A_66 = arith.constant 0 : i32
        %dma_wait3A_67 = arith.constant 0 : i32
        %dma_wait3A_68 = tpu.memref_slice %arg2[%dma_wait3A_66, %dma_wait3A_67] : memref<10240x128xf32, #tpu.memory_space<hbm>> -> memref<10240x128xf32, #tpu.memory_space<hbm>>
        tpu.wait_indirect_dma semaphore(%run_scoped3A : memref<!tpu.dma_semaphore, #tpu.memory_space<semaphore_mem>>) src(%dma_wait3A_68 : memref<10240x128xf32, #tpu.memory_space<hbm>>) dst(%arg14 : memref<128x128xf32, #tpu.memory_space<vmem>>)
        tpu.yield
      }) : () -> ()
      "tpu.region"() ({
        %run_scoped3A = tpu.sem_alloc : memref<!tpu.dma_semaphore, #tpu.memory_space<semaphore_mem>>
        %dma_start3A = arith.constant 0 : i32
        %dma_start3A_59 = tpu.memref_slice %arg12[%add3A_58, %dma_start3A] : memref<79x128xi32, #tpu.memory_space<vmem>> -> memref<1x128xi32, #tpu.memory_space<vmem>>
        %dma_start3A_60 = tpu.memref_squeeze %dma_start3A_59 : memref<1x128xi32, #tpu.memory_space<vmem>> -> memref<128xi32, #tpu.memory_space<vmem>>
        %dma_start3A_61 = arith.constant 0 : i32
        %dma_start3A_62 = arith.constant 0 : i32
        %dma_start3A_63 = tpu.memref_slice %arg16[%dma_start3A_61, %dma_start3A_62] : memref<10240x128xf32, #tpu.memory_space<vmem_shared>> -> memref<10240x128xf32, #tpu.memory_space<vmem_shared>>
        tpu.enqueue_indirect_dma source(%arg14 : memref<128x128xf32, #tpu.memory_space<vmem>>) target(%dma_start3A_63 : memref<10240x128xf32, #tpu.memory_space<vmem_shared>>) offsets(%dma_start3A_60 : memref<128xi32, #tpu.memory_space<vmem>>) semaphore(%run_scoped3A : memref<!tpu.dma_semaphore, #tpu.memory_space<semaphore_mem>>) {add = true}
        %dma_wait3A = arith.constant 0 : i32
        %dma_wait3A_64 = tpu.memref_slice %arg12[%add3A_58, %dma_wait3A] : memref<79x128xi32, #tpu.memory_space<vmem>> -> memref<1x128xi32, #tpu.memory_space<vmem>>
        %dma_wait3A_65 = tpu.memref_squeeze %dma_wait3A_64 : memref<1x128xi32, #tpu.memory_space<vmem>> -> memref<128xi32, #tpu.memory_space<vmem>>
        %dma_wait3A_66 = arith.constant 0 : i32
        %dma_wait3A_67 = arith.constant 0 : i32
        %dma_wait3A_68 = tpu.memref_slice %arg16[%dma_wait3A_66, %dma_wait3A_67] : memref<10240x128xf32, #tpu.memory_space<vmem_shared>> -> memref<10240x128xf32, #tpu.memory_space<vmem_shared>>
        tpu.wait_indirect_dma semaphore(%run_scoped3A : memref<!tpu.dma_semaphore, #tpu.memory_space<semaphore_mem>>) src(%arg14 : memref<128x128xf32, #tpu.memory_space<vmem>>) dst(%dma_wait3A_68 : memref<10240x128xf32, #tpu.memory_space<vmem_shared>>)
        tpu.yield
      }) : () -> ()
      "tpu.region"() ({
        %run_scoped3A = tpu.sem_alloc : memref<!tpu.dma_semaphore, #tpu.memory_space<semaphore_mem>>
        %dma_start3A = arith.constant 0 : i32
        %dma_start3A_59 = tpu.memref_slice %arg13[%add3A_58, %dma_start3A] : memref<79x128xi32, #tpu.memory_space<vmem>> -> memref<1x128xi32, #tpu.memory_space<vmem>>
        %dma_start3A_60 = tpu.memref_squeeze %dma_start3A_59 : memref<1x128xi32, #tpu.memory_space<vmem>> -> memref<128xi32, #tpu.memory_space<vmem>>
        %dma_start3A_61 = arith.constant 0 : i32
        %dma_start3A_62 = arith.constant 0 : i32
        %dma_start3A_63 = tpu.memref_slice %arg3[%dma_start3A_61, %dma_start3A_62] : memref<512x128xf32, #tpu.memory_space<hbm>> -> memref<512x128xf32, #tpu.memory_space<hbm>>
        tpu.enqueue_indirect_dma source(%dma_start3A_63 : memref<512x128xf32, #tpu.memory_space<hbm>>) target(%arg14 : memref<128x128xf32, #tpu.memory_space<vmem>>) offsets(%dma_start3A_60 : memref<128xi32, #tpu.memory_space<vmem>>) semaphore(%run_scoped3A : memref<!tpu.dma_semaphore, #tpu.memory_space<semaphore_mem>>)
        %dma_wait3A = arith.constant 0 : i32
        %dma_wait3A_64 = tpu.memref_slice %arg13[%add3A_58, %dma_wait3A] : memref<79x128xi32, #tpu.memory_space<vmem>> -> memref<1x128xi32, #tpu.memory_space<vmem>>
        %dma_wait3A_65 = tpu.memref_squeeze %dma_wait3A_64 : memref<1x128xi32, #tpu.memory_space<vmem>> -> memref<128xi32, #tpu.memory_space<vmem>>
        %dma_wait3A_66 = arith.constant 0 : i32
        %dma_wait3A_67 = arith.constant 0 : i32
        %dma_wait3A_68 = tpu.memref_slice %arg3[%dma_wait3A_66, %dma_wait3A_67] : memref<512x128xf32, #tpu.memory_space<hbm>> -> memref<512x128xf32, #tpu.memory_space<hbm>>
        tpu.wait_indirect_dma semaphore(%run_scoped3A : memref<!tpu.dma_semaphore, #tpu.memory_space<semaphore_mem>>) src(%dma_wait3A_68 : memref<512x128xf32, #tpu.memory_space<hbm>>) dst(%arg14 : memref<128x128xf32, #tpu.memory_space<vmem>>)
        tpu.yield
      }) : () -> ()
      "tpu.region"() ({
        %run_scoped3A = tpu.sem_alloc : memref<!tpu.dma_semaphore, #tpu.memory_space<semaphore_mem>>
        %dma_start3A = arith.constant 0 : i32
        %dma_start3A_59 = tpu.memref_slice %arg12[%add3A_58, %dma_start3A] : memref<79x128xi32, #tpu.memory_space<vmem>> -> memref<1x128xi32, #tpu.memory_space<vmem>>
        %dma_start3A_60 = tpu.memref_squeeze %dma_start3A_59 : memref<1x128xi32, #tpu.memory_space<vmem>> -> memref<128xi32, #tpu.memory_space<vmem>>
        %dma_start3A_61 = arith.constant 0 : i32
        %dma_start3A_62 = arith.constant 0 : i32
        %dma_start3A_63 = tpu.memref_slice %arg16[%dma_start3A_61, %dma_start3A_62] : memref<10240x128xf32, #tpu.memory_space<vmem_shared>> -> memref<10240x128xf32, #tpu.memory_space<vmem_shared>>
        tpu.enqueue_indirect_dma source(%arg14 : memref<128x128xf32, #tpu.memory_space<vmem>>) target(%dma_start3A_63 : memref<10240x128xf32, #tpu.memory_space<vmem_shared>>) offsets(%dma_start3A_60 : memref<128xi32, #tpu.memory_space<vmem>>) semaphore(%run_scoped3A : memref<!tpu.dma_semaphore, #tpu.memory_space<semaphore_mem>>) {add = true}
        %dma_wait3A = arith.constant 0 : i32
        %dma_wait3A_64 = tpu.memref_slice %arg12[%add3A_58, %dma_wait3A] : memref<79x128xi32, #tpu.memory_space<vmem>> -> memref<1x128xi32, #tpu.memory_space<vmem>>
        %dma_wait3A_65 = tpu.memref_squeeze %dma_wait3A_64 : memref<1x128xi32, #tpu.memory_space<vmem>> -> memref<128xi32, #tpu.memory_space<vmem>>
        %dma_wait3A_66 = arith.constant 0 : i32
        %dma_wait3A_67 = arith.constant 0 : i32
        %dma_wait3A_68 = tpu.memref_slice %arg16[%dma_wait3A_66, %dma_wait3A_67] : memref<10240x128xf32, #tpu.memory_space<vmem_shared>> -> memref<10240x128xf32, #tpu.memory_space<vmem_shared>>
        tpu.wait_indirect_dma semaphore(%run_scoped3A : memref<!tpu.dma_semaphore, #tpu.memory_space<semaphore_mem>>) src(%arg14 : memref<128x128xf32, #tpu.memory_space<vmem>>) dst(%dma_wait3A_68 : memref<10240x128xf32, #tpu.memory_space<vmem_shared>>)
        tpu.yield
      }) : () -> ()
      "tpu.region"() ({
        %run_scoped3A = tpu.sem_alloc : memref<!tpu.dma_semaphore, #tpu.memory_space<semaphore_mem>>
        %dma_start3A = arith.constant 0 : i32
        %dma_start3A_59 = tpu.memref_slice %arg12[%add3A_58, %dma_start3A] : memref<79x128xi32, #tpu.memory_space<vmem>> -> memref<1x128xi32, #tpu.memory_space<vmem>>
        %dma_start3A_60 = tpu.memref_squeeze %dma_start3A_59 : memref<1x128xi32, #tpu.memory_space<vmem>> -> memref<128xi32, #tpu.memory_space<vmem>>
        %dma_start3A_61 = arith.constant 0 : i32
        %dma_start3A_62 = tpu.memref_slice %arg17[%dma_start3A_61] : memref<10240xf32, #tpu.memory_space<vmem_shared>> -> memref<10240xf32, #tpu.memory_space<vmem_shared>>
        tpu.enqueue_indirect_dma source(%arg15 : memref<128xf32, #tpu.memory_space<vmem>>) target(%dma_start3A_62 : memref<10240xf32, #tpu.memory_space<vmem_shared>>) offsets(%dma_start3A_60 : memref<128xi32, #tpu.memory_space<vmem>>) semaphore(%run_scoped3A : memref<!tpu.dma_semaphore, #tpu.memory_space<semaphore_mem>>) {add = true}
        %dma_wait3A = arith.constant 0 : i32
        %dma_wait3A_63 = tpu.memref_slice %arg12[%add3A_58, %dma_wait3A] : memref<79x128xi32, #tpu.memory_space<vmem>> -> memref<1x128xi32, #tpu.memory_space<vmem>>
        %dma_wait3A_64 = tpu.memref_squeeze %dma_wait3A_63 : memref<1x128xi32, #tpu.memory_space<vmem>> -> memref<128xi32, #tpu.memory_space<vmem>>
        %dma_wait3A_65 = arith.constant 0 : i32
        %dma_wait3A_66 = tpu.memref_slice %arg17[%dma_wait3A_65] : memref<10240xf32, #tpu.memory_space<vmem_shared>> -> memref<10240xf32, #tpu.memory_space<vmem_shared>>
        tpu.wait_indirect_dma semaphore(%run_scoped3A : memref<!tpu.dma_semaphore, #tpu.memory_space<semaphore_mem>>) src(%arg15 : memref<128xf32, #tpu.memory_space<vmem>>) dst(%dma_wait3A_66 : memref<10240xf32, #tpu.memory_space<vmem_shared>>)
        tpu.yield
      }) : () -> ()
    }
    %scan3A_52 = arith.constant 79 : i32
    %barrier3A_53 = arith.constant 0 : index
    tpu.barrier barrier_id(%barrier3A_53)
    "tpu.region"() ({
      %run_scoped3A = tpu.sem_alloc : memref<!tpu.dma_semaphore, #tpu.memory_space<semaphore_mem>>
      %dma_start3A = arith.constant 0 : i32
      %dma_start3A_54 = arith.constant 0 : i32
      %dma_start3A_55 = tpu.memref_slice %arg9[%arg0, %dma_start3A, %dma_start3A_54] : memref<2x10240x128xf32, #tpu.memory_space<hbm>> -> memref<1x10240x128xf32, #tpu.memory_space<hbm>>
      %dma_start3A_56 = tpu.memref_squeeze %dma_start3A_55 : memref<1x10240x128xf32, #tpu.memory_space<hbm>> -> memref<10240x128xf32, #tpu.memory_space<hbm>>
      %dma_start3A_57 = arith.constant 0 : i32
      %dma_start3A_58 = tpu.memref_slice %dma_start3A_56[%mul3A_2, %dma_start3A_57] : memref<10240x128xf32, #tpu.memory_space<hbm>> -> memref<640x128xf32, #tpu.memory_space<hbm>>
      %dma_start3A_59 = arith.constant 0 : i32
      %dma_start3A_60 = tpu.memref_slice %arg16[%mul3A_2, %dma_start3A_59] : memref<10240x128xf32, #tpu.memory_space<vmem_shared>> -> memref<640x128xf32, #tpu.memory_space<vmem_shared>>
      tpu.enqueue_dma source(%dma_start3A_60 : memref<640x128xf32, #tpu.memory_space<vmem_shared>>) target(%dma_start3A_58 : memref<640x128xf32, #tpu.memory_space<hbm>>) target_semaphore(%run_scoped3A : memref<!tpu.dma_semaphore, #tpu.memory_space<semaphore_mem>>)
      %dma_wait3A = arith.constant 0 : i32
      %dma_wait3A_61 = arith.constant 0 : i32
      %dma_wait3A_62 = tpu.memref_slice %arg9[%arg0, %dma_wait3A, %dma_wait3A_61] : memref<2x10240x128xf32, #tpu.memory_space<hbm>> -> memref<1x10240x128xf32, #tpu.memory_space<hbm>>
      %dma_wait3A_63 = tpu.memref_squeeze %dma_wait3A_62 : memref<1x10240x128xf32, #tpu.memory_space<hbm>> -> memref<10240x128xf32, #tpu.memory_space<hbm>>
      %dma_wait3A_64 = arith.constant 0 : i32
      %dma_wait3A_65 = tpu.memref_slice %dma_wait3A_63[%mul3A_2, %dma_wait3A_64] : memref<10240x128xf32, #tpu.memory_space<hbm>> -> memref<640x128xf32, #tpu.memory_space<hbm>>
      %dma_wait3A_66 = arith.constant 0 : i32
      %dma_wait3A_67 = tpu.memref_slice %arg16[%mul3A_2, %dma_wait3A_66] : memref<10240x128xf32, #tpu.memory_space<vmem_shared>> -> memref<640x128xf32, #tpu.memory_space<vmem_shared>>
      tpu.wait_dma2 semaphore(%run_scoped3A : memref<!tpu.dma_semaphore, #tpu.memory_space<semaphore_mem>>) src(%dma_wait3A_67 : memref<640x128xf32, #tpu.memory_space<vmem_shared>>) dst(%dma_wait3A_65 : memref<640x128xf32, #tpu.memory_space<hbm>>)
      tpu.yield
    }) : () -> ()
    "tpu.region"() ({
      %run_scoped3A = tpu.sem_alloc : memref<!tpu.dma_semaphore, #tpu.memory_space<semaphore_mem>>
      %dma_start3A = arith.constant 0 : i32
      %dma_start3A_54 = tpu.memref_slice %arg10[%arg0, %dma_start3A] : memref<2x10240xf32, #tpu.memory_space<hbm>> -> memref<1x10240xf32, #tpu.memory_space<hbm>>
      %dma_start3A_55 = tpu.memref_squeeze %dma_start3A_54 : memref<1x10240xf32, #tpu.memory_space<hbm>> -> memref<10240xf32, #tpu.memory_space<hbm>>
      %dma_start3A_56 = tpu.memref_slice %dma_start3A_55[%mul3A_2] : memref<10240xf32, #tpu.memory_space<hbm>> -> memref<640xf32, #tpu.memory_space<hbm>>
      %dma_start3A_57 = tpu.memref_slice %arg17[%mul3A_2] : memref<10240xf32, #tpu.memory_space<vmem_shared>> -> memref<640xf32, #tpu.memory_space<vmem_shared>>
      tpu.enqueue_dma source(%dma_start3A_57 : memref<640xf32, #tpu.memory_space<vmem_shared>>) target(%dma_start3A_56 : memref<640xf32, #tpu.memory_space<hbm>>) target_semaphore(%run_scoped3A : memref<!tpu.dma_semaphore, #tpu.memory_space<semaphore_mem>>)
      %dma_wait3A = arith.constant 0 : i32
      %dma_wait3A_58 = tpu.memref_slice %arg10[%arg0, %dma_wait3A] : memref<2x10240xf32, #tpu.memory_space<hbm>> -> memref<1x10240xf32, #tpu.memory_space<hbm>>
      %dma_wait3A_59 = tpu.memref_squeeze %dma_wait3A_58 : memref<1x10240xf32, #tpu.memory_space<hbm>> -> memref<10240xf32, #tpu.memory_space<hbm>>
      %dma_wait3A_60 = tpu.memref_slice %dma_wait3A_59[%mul3A_2] : memref<10240xf32, #tpu.memory_space<hbm>> -> memref<640xf32, #tpu.memory_space<hbm>>
      %dma_wait3A_61 = tpu.memref_slice %arg17[%mul3A_2] : memref<10240xf32, #tpu.memory_space<vmem_shared>> -> memref<640xf32, #tpu.memory_space<vmem_shared>>
      tpu.wait_dma2 semaphore(%run_scoped3A : memref<!tpu.dma_semaphore, #tpu.memory_space<semaphore_mem>>) src(%dma_wait3A_61 : memref<640xf32, #tpu.memory_space<vmem_shared>>) dst(%dma_wait3A_60 : memref<640xf32, #tpu.memory_space<hbm>>)
      tpu.yield
    }) : () -> ()
    return
  }
}

#map = affine_map<(d0, d1) -> (0, 0)>
#map1 = affine_map<(d0, d1) -> (0, 0, 0)>
#map2 = affine_map<(d0, d1) -> (0)>
module attributes {stable_mosaic.version = 14 : i64} {
  func.func @_sc_body(%arg0: i32, %arg1: i32, %arg2: memref<10240x128xf32, #tpu.memory_space<hbm>>, %arg3: memref<512x128xf32, #tpu.memory_space<hbm>>, %arg4: memref<32x79x128xi32, #tpu.memory_space<hbm>>, %arg5: memref<32x79x128xi32, #tpu.memory_space<hbm>>, %arg6: memref<32x79x128xi32, #tpu.memory_space<hbm>>, %arg7: memref<640x128xf32, #tpu.memory_space<hbm>>, %arg8: memref<640xf32, #tpu.memory_space<hbm>>, %arg9: memref<2x10240x128xf32, #tpu.memory_space<hbm>>, %arg10: memref<2x10240xf32, #tpu.memory_space<hbm>>, %arg11: memref<79x128xi32, #tpu.memory_space<vmem>>, %arg12: memref<79x128xi32, #tpu.memory_space<vmem>>, %arg13: memref<79x128xi32, #tpu.memory_space<vmem>>, %arg14: memref<128x128xf32, #tpu.memory_space<vmem>>, %arg15: memref<128xf32, #tpu.memory_space<vmem>>, %arg16: memref<10240x128xf32, #tpu.memory_space<vmem_shared>>, %arg17: memref<10240xf32, #tpu.memory_space<vmem_shared>>) attributes {dimension_semantics = [#tpu.dimension_semantics<core_parallel>, #tpu.dimension_semantics<subcore_parallel>], iteration_bounds = array<i64: 2, 16>, scalar_prefetch = 0 : i64, scratch_operands = 7 : i64, tpu.core_type = #tpu.core_type<sc_vector_subcore>, window_params = [{transform_indices = #map}, {transform_indices = #map}, {transform_indices = #map1}, {transform_indices = #map1}, {transform_indices = #map1}, {transform_indices = #map}, {transform_indices = #map2}, {transform_indices = #map1}, {transform_indices = #map}]} {
    %mul3A = arith.constant 16 : i32
    %mul3A_0 = arith.muli %arg0, %mul3A : i32
    %add3A = arith.addi %mul3A_0, %arg1 : i32
    "tpu.region"() ({
      %run_scoped3A = tpu.sem_alloc : memref<!tpu.dma_semaphore, #tpu.memory_space<semaphore_mem>>
      %dma_start3A = arith.constant 0 : i32
      %dma_start3A_54 = arith.constant 0 : i32
      %dma_start3A_55 = tpu.memref_slice %arg4[%add3A, %dma_start3A, %dma_start3A_54] : memref<32x79x128xi32, #tpu.memory_space<hbm>> -> memref<1x79x128xi32, #tpu.memory_space<hbm>>
      %dma_start3A_56 = tpu.memref_squeeze %dma_start3A_55 : memref<1x79x128xi32, #tpu.memory_space<hbm>> -> memref<79x128xi32, #tpu.memory_space<hbm>>
      %dma_start3A_57 = arith.constant 0 : i32
      %dma_start3A_58 = arith.constant 0 : i32
      %dma_start3A_59 = tpu.memref_slice %arg4[%add3A, %dma_start3A_57, %dma_start3A_58] : memref<32x79x128xi32, #tpu.memory_space<hbm>> -> memref<1x79x128xi32, #tpu.memory_space<hbm>>
      %dma_start3A_60 = tpu.memref_squeeze %dma_start3A_59 : memref<1x79x128xi32, #tpu.memory_space<hbm>> -> memref<79x128xi32, #tpu.memory_space<hbm>>
      tpu.enqueue_dma source(%dma_start3A_60 : memref<79x128xi32, #tpu.memory_space<hbm>>) target(%arg11 : memref<79x128xi32, #tpu.memory_space<vmem>>) target_semaphore(%run_scoped3A : memref<!tpu.dma_semaphore, #tpu.memory_space<semaphore_mem>>)
      %dma_wait3A = arith.constant 0 : i32
      %dma_wait3A_61 = arith.constant 0 : i32
      %dma_wait3A_62 = tpu.memref_slice %arg4[%add3A, %dma_wait3A, %dma_wait3A_61] : memref<32x79x128xi32, #tpu.memory_space<hbm>> -> memref<1x79x128xi32, #tpu.memory_space<hbm>>
      %dma_wait3A_63 = tpu.memref_squeeze %dma_wait3A_62 : memref<1x79x128xi32, #tpu.memory_space<hbm>> -> memref<79x128xi32, #tpu.memory_space<hbm>>
      %dma_wait3A_64 = arith.constant 0 : i32
      %dma_wait3A_65 = arith.constant 0 : i32
      %dma_wait3A_66 = tpu.memref_slice %arg4[%add3A, %dma_wait3A_64, %dma_wait3A_65] : memref<32x79x128xi32, #tpu.memory_space<hbm>> -> memref<1x79x128xi32, #tpu.memory_space<hbm>>
      %dma_wait3A_67 = tpu.memref_squeeze %dma_wait3A_66 : memref<1x79x128xi32, #tpu.memory_space<hbm>> -> memref<79x128xi32, #tpu.memory_space<hbm>>
      tpu.wait_dma2 semaphore(%run_scoped3A : memref<!tpu.dma_semaphore, #tpu.memory_space<semaphore_mem>>) src(%dma_wait3A_67 : memref<79x128xi32, #tpu.memory_space<hbm>>) dst(%arg11 : memref<79x128xi32, #tpu.memory_space<vmem>>)
      tpu.yield
    }) : () -> ()
    "tpu.region"() ({
      %run_scoped3A = tpu.sem_alloc : memref<!tpu.dma_semaphore, #tpu.memory_space<semaphore_mem>>
      %dma_start3A = arith.constant 0 : i32
      %dma_start3A_54 = arith.constant 0 : i32
      %dma_start3A_55 = tpu.memref_slice %arg5[%add3A, %dma_start3A, %dma_start3A_54] : memref<32x79x128xi32, #tpu.memory_space<hbm>> -> memref<1x79x128xi32, #tpu.memory_space<hbm>>
      %dma_start3A_56 = tpu.memref_squeeze %dma_start3A_55 : memref<1x79x128xi32, #tpu.memory_space<hbm>> -> memref<79x128xi32, #tpu.memory_space<hbm>>
      %dma_start3A_57 = arith.constant 0 : i32
      %dma_start3A_58 = arith.constant 0 : i32
      %dma_start3A_59 = tpu.memref_slice %arg5[%add3A, %dma_start3A_57, %dma_start3A_58] : memref<32x79x128xi32, #tpu.memory_space<hbm>> -> memref<1x79x128xi32, #tpu.memory_space<hbm>>
      %dma_start3A_60 = tpu.memref_squeeze %dma_start3A_59 : memref<1x79x128xi32, #tpu.memory_space<hbm>> -> memref<79x128xi32, #tpu.memory_space<hbm>>
      tpu.enqueue_dma source(%dma_start3A_60 : memref<79x128xi32, #tpu.memory_space<hbm>>) target(%arg12 : memref<79x128xi32, #tpu.memory_space<vmem>>) target_semaphore(%run_scoped3A : memref<!tpu.dma_semaphore, #tpu.memory_space<semaphore_mem>>)
      %dma_wait3A = arith.constant 0 : i32
      %dma_wait3A_61 = arith.constant 0 : i32
      %dma_wait3A_62 = tpu.memref_slice %arg5[%add3A, %dma_wait3A, %dma_wait3A_61] : memref<32x79x128xi32, #tpu.memory_space<hbm>> -> memref<1x79x128xi32, #tpu.memory_space<hbm>>
      %dma_wait3A_63 = tpu.memref_squeeze %dma_wait3A_62 : memref<1x79x128xi32, #tpu.memory_space<hbm>> -> memref<79x128xi32, #tpu.memory_space<hbm>>
      %dma_wait3A_64 = arith.constant 0 : i32
      %dma_wait3A_65 = arith.constant 0 : i32
      %dma_wait3A_66 = tpu.memref_slice %arg5[%add3A, %dma_wait3A_64, %dma_wait3A_65] : memref<32x79x128xi32, #tpu.memory_space<hbm>> -> memref<1x79x128xi32, #tpu.memory_space<hbm>>
      %dma_wait3A_67 = tpu.memref_squeeze %dma_wait3A_66 : memref<1x79x128xi32, #tpu.memory_space<hbm>> -> memref<79x128xi32, #tpu.memory_space<hbm>>
      tpu.wait_dma2 semaphore(%run_scoped3A : memref<!tpu.dma_semaphore, #tpu.memory_space<semaphore_mem>>) src(%dma_wait3A_67 : memref<79x128xi32, #tpu.memory_space<hbm>>) dst(%arg12 : memref<79x128xi32, #tpu.memory_space<vmem>>)
      tpu.yield
    }) : () -> ()
    "tpu.region"() ({
      %run_scoped3A = tpu.sem_alloc : memref<!tpu.dma_semaphore, #tpu.memory_space<semaphore_mem>>
      %dma_start3A = arith.constant 0 : i32
      %dma_start3A_54 = arith.constant 0 : i32
      %dma_start3A_55 = tpu.memref_slice %arg6[%add3A, %dma_start3A, %dma_start3A_54] : memref<32x79x128xi32, #tpu.memory_space<hbm>> -> memref<1x79x128xi32, #tpu.memory_space<hbm>>
      %dma_start3A_56 = tpu.memref_squeeze %dma_start3A_55 : memref<1x79x128xi32, #tpu.memory_space<hbm>> -> memref<79x128xi32, #tpu.memory_space<hbm>>
      %dma_start3A_57 = arith.constant 0 : i32
      %dma_start3A_58 = arith.constant 0 : i32
      %dma_start3A_59 = tpu.memref_slice %arg6[%add3A, %dma_start3A_57, %dma_start3A_58] : memref<32x79x128xi32, #tpu.memory_space<hbm>> -> memref<1x79x128xi32, #tpu.memory_space<hbm>>
      %dma_start3A_60 = tpu.memref_squeeze %dma_start3A_59 : memref<1x79x128xi32, #tpu.memory_space<hbm>> -> memref<79x128xi32, #tpu.memory_space<hbm>>
      tpu.enqueue_dma source(%dma_start3A_60 : memref<79x128xi32, #tpu.memory_space<hbm>>) target(%arg13 : memref<79x128xi32, #tpu.memory_space<vmem>>) target_semaphore(%run_scoped3A : memref<!tpu.dma_semaphore, #tpu.memory_space<semaphore_mem>>)
      %dma_wait3A = arith.constant 0 : i32
      %dma_wait3A_61 = arith.constant 0 : i32
      %dma_wait3A_62 = tpu.memref_slice %arg6[%add3A, %dma_wait3A, %dma_wait3A_61] : memref<32x79x128xi32, #tpu.memory_space<hbm>> -> memref<1x79x128xi32, #tpu.memory_space<hbm>>
      %dma_wait3A_63 = tpu.memref_squeeze %dma_wait3A_62 : memref<1x79x128xi32, #tpu.memory_space<hbm>> -> memref<79x128xi32, #tpu.memory_space<hbm>>
      %dma_wait3A_64 = arith.constant 0 : i32
      %dma_wait3A_65 = arith.constant 0 : i32
      %dma_wait3A_66 = tpu.memref_slice %arg6[%add3A, %dma_wait3A_64, %dma_wait3A_65] : memref<32x79x128xi32, #tpu.memory_space<hbm>> -> memref<1x79x128xi32, #tpu.memory_space<hbm>>
      %dma_wait3A_67 = tpu.memref_squeeze %dma_wait3A_66 : memref<1x79x128xi32, #tpu.memory_space<hbm>> -> memref<79x128xi32, #tpu.memory_space<hbm>>
      tpu.wait_dma2 semaphore(%run_scoped3A : memref<!tpu.dma_semaphore, #tpu.memory_space<semaphore_mem>>) src(%dma_wait3A_67 : memref<79x128xi32, #tpu.memory_space<hbm>>) dst(%arg13 : memref<79x128xi32, #tpu.memory_space<vmem>>)
      tpu.yield
    }) : () -> ()
    %mul3A_1 = arith.constant 640 : i32
    %mul3A_2 = arith.muli %arg1, %mul3A_1 : i32
    "tpu.region"() ({
      %run_scoped3A = tpu.sem_alloc : memref<!tpu.dma_semaphore, #tpu.memory_space<semaphore_mem>>
      %dma_start3A = arith.constant 0 : i32
      %dma_start3A_54 = tpu.memref_slice %arg16[%mul3A_2, %dma_start3A] : memref<10240x128xf32, #tpu.memory_space<vmem_shared>> -> memref<640x128xf32, #tpu.memory_space<vmem_shared>>
      tpu.enqueue_dma source(%arg7 : memref<640x128xf32, #tpu.memory_space<hbm>>) target(%dma_start3A_54 : memref<640x128xf32, #tpu.memory_space<vmem_shared>>) target_semaphore(%run_scoped3A : memref<!tpu.dma_semaphore, #tpu.memory_space<semaphore_mem>>)
      %dma_wait3A = arith.constant 0 : i32
      %dma_wait3A_55 = tpu.memref_slice %arg16[%mul3A_2, %dma_wait3A] : memref<10240x128xf32, #tpu.memory_space<vmem_shared>> -> memref<640x128xf32, #tpu.memory_space<vmem_shared>>
      tpu.wait_dma2 semaphore(%run_scoped3A : memref<!tpu.dma_semaphore, #tpu.memory_space<semaphore_mem>>) src(%arg7 : memref<640x128xf32, #tpu.memory_space<hbm>>) dst(%dma_wait3A_55 : memref<640x128xf32, #tpu.memory_space<vmem_shared>>)
      tpu.yield
    }) : () -> ()
    "tpu.region"() ({
      %run_scoped3A = tpu.sem_alloc : memref<!tpu.dma_semaphore, #tpu.memory_space<semaphore_mem>>
      %dma_start3A = tpu.memref_slice %arg17[%mul3A_2] : memref<10240xf32, #tpu.memory_space<vmem_shared>> -> memref<640xf32, #tpu.memory_space<vmem_shared>>
      tpu.enqueue_dma source(%arg8 : memref<640xf32, #tpu.memory_space<hbm>>) target(%dma_start3A : memref<640xf32, #tpu.memory_space<vmem_shared>>) target_semaphore(%run_scoped3A : memref<!tpu.dma_semaphore, #tpu.memory_space<semaphore_mem>>)
      %dma_wait3A = tpu.memref_slice %arg17[%mul3A_2] : memref<10240xf32, #tpu.memory_space<vmem_shared>> -> memref<640xf32, #tpu.memory_space<vmem_shared>>
      tpu.wait_dma2 semaphore(%run_scoped3A : memref<!tpu.dma_semaphore, #tpu.memory_space<semaphore_mem>>) src(%arg8 : memref<640xf32, #tpu.memory_space<hbm>>) dst(%dma_wait3A : memref<640xf32, #tpu.memory_space<vmem_shared>>)
      tpu.yield
    }) : () -> ()
    %broadcast_in_dim3A = arith.constant 1.000000e+00 : f32
    %broadcast_in_dim3A_3 = vector.broadcast %broadcast_in_dim3A : f32 to vector<16xf32>
    %swap3A = arith.constant 0 : index
    %swap3A_4 = tpu.vector_load %arg15[%swap3A] {strides = array<i32>} : memref<128xf32, #tpu.memory_space<vmem>>, vector<16xf32>,
    %swap3A_5 = vector.shape_cast %swap3A_4 : vector<16xf32> to vector<16xf32>
    %swap3A_6 = vector.shape_cast %broadcast_in_dim3A_3 : vector<16xf32> to vector<16xf32>
    tpu.vector_store %arg15[%swap3A], %swap3A_6 {strides = array<i32>} : memref<128xf32, #tpu.memory_space<vmem>>, vector<16xf32>,
    %broadcast_in_dim3A_7 = arith.constant 1.000000e+00 : f32
    %broadcast_in_dim3A_8 = vector.broadcast %broadcast_in_dim3A_7 : f32 to vector<16xf32>
    %swap3A_9 = arith.constant 16 : index
    %swap3A_10 = tpu.vector_load %arg15[%swap3A_9] {strides = array<i32>} : memref<128xf32, #tpu.memory_space<vmem>>, vector<16xf32>,
    %swap3A_11 = vector.shape_cast %swap3A_10 : vector<16xf32> to vector<16xf32>
    %swap3A_12 = vector.shape_cast %broadcast_in_dim3A_8 : vector<16xf32> to vector<16xf32>
    tpu.vector_store %arg15[%swap3A_9], %swap3A_12 {strides = array<i32>} : memref<128xf32, #tpu.memory_space<vmem>>, vector<16xf32>,
    %broadcast_in_dim3A_13 = arith.constant 1.000000e+00 : f32
    %broadcast_in_dim3A_14 = vector.broadcast %broadcast_in_dim3A_13 : f32 to vector<16xf32>
    %swap3A_15 = arith.constant 32 : index
    %swap3A_16 = tpu.vector_load %arg15[%swap3A_15] {strides = array<i32>} : memref<128xf32, #tpu.memory_space<vmem>>, vector<16xf32>,
    %swap3A_17 = vector.shape_cast %swap3A_16 : vector<16xf32> to vector<16xf32>
    %swap3A_18 = vector.shape_cast %broadcast_in_dim3A_14 : vector<16xf32> to vector<16xf32>
    tpu.vector_store %arg15[%swap3A_15], %swap3A_18 {strides = array<i32>} : memref<128xf32, #tpu.memory_space<vmem>>, vector<16xf32>,
    %broadcast_in_dim3A_19 = arith.constant 1.000000e+00 : f32
    %broadcast_in_dim3A_20 = vector.broadcast %broadcast_in_dim3A_19 : f32 to vector<16xf32>
    %swap3A_21 = arith.constant 48 : index
    %swap3A_22 = tpu.vector_load %arg15[%swap3A_21] {strides = array<i32>} : memref<128xf32, #tpu.memory_space<vmem>>, vector<16xf32>,
    %swap3A_23 = vector.shape_cast %swap3A_22 : vector<16xf32> to vector<16xf32>
    %swap3A_24 = vector.shape_cast %broadcast_in_dim3A_20 : vector<16xf32> to vector<16xf32>
    tpu.vector_store %arg15[%swap3A_21], %swap3A_24 {strides = array<i32>} : memref<128xf32, #tpu.memory_space<vmem>>, vector<16xf32>,
    %broadcast_in_dim3A_25 = arith.constant 1.000000e+00 : f32
    %broadcast_in_dim3A_26 = vector.broadcast %broadcast_in_dim3A_25 : f32 to vector<16xf32>
    %swap3A_27 = arith.constant 64 : index
    %swap3A_28 = tpu.vector_load %arg15[%swap3A_27] {strides = array<i32>} : memref<128xf32, #tpu.memory_space<vmem>>, vector<16xf32>,
    %swap3A_29 = vector.shape_cast %swap3A_28 : vector<16xf32> to vector<16xf32>
    %swap3A_30 = vector.shape_cast %broadcast_in_dim3A_26 : vector<16xf32> to vector<16xf32>
    tpu.vector_store %arg15[%swap3A_27], %swap3A_30 {strides = array<i32>} : memref<128xf32, #tpu.memory_space<vmem>>, vector<16xf32>,
    %broadcast_in_dim3A_31 = arith.constant 1.000000e+00 : f32
    %broadcast_in_dim3A_32 = vector.broadcast %broadcast_in_dim3A_31 : f32 to vector<16xf32>
    %swap3A_33 = arith.constant 80 : index
    %swap3A_34 = tpu.vector_load %arg15[%swap3A_33] {strides = array<i32>} : memref<128xf32, #tpu.memory_space<vmem>>, vector<16xf32>,
    %swap3A_35 = vector.shape_cast %swap3A_34 : vector<16xf32> to vector<16xf32>
    %swap3A_36 = vector.shape_cast %broadcast_in_dim3A_32 : vector<16xf32> to vector<16xf32>
    tpu.vector_store %arg15[%swap3A_33], %swap3A_36 {strides = array<i32>} : memref<128xf32, #tpu.memory_space<vmem>>, vector<16xf32>,
    %broadcast_in_dim3A_37 = arith.constant 1.000000e+00 : f32
    %broadcast_in_dim3A_38 = vector.broadcast %broadcast_in_dim3A_37 : f32 to vector<16xf32>
    %swap3A_39 = arith.constant 96 : index
    %swap3A_40 = tpu.vector_load %arg15[%swap3A_39] {strides = array<i32>} : memref<128xf32, #tpu.memory_space<vmem>>, vector<16xf32>,
    %swap3A_41 = vector.shape_cast %swap3A_40 : vector<16xf32> to vector<16xf32>
    %swap3A_42 = vector.shape_cast %broadcast_in_dim3A_38 : vector<16xf32> to vector<16xf32>
    tpu.vector_store %arg15[%swap3A_39], %swap3A_42 {strides = array<i32>} : memref<128xf32, #tpu.memory_space<vmem>>, vector<16xf32>,
    %broadcast_in_dim3A_43 = arith.constant 1.000000e+00 : f32
    %broadcast_in_dim3A_44 = vector.broadcast %broadcast_in_dim3A_43 : f32 to vector<16xf32>
    %swap3A_45 = arith.constant 112 : index
    %swap3A_46 = tpu.vector_load %arg15[%swap3A_45] {strides = array<i32>} : memref<128xf32, #tpu.memory_space<vmem>>, vector<16xf32>,
    %swap3A_47 = vector.shape_cast %swap3A_46 : vector<16xf32> to vector<16xf32>
    %swap3A_48 = vector.shape_cast %broadcast_in_dim3A_44 : vector<16xf32> to vector<16xf32>
    tpu.vector_store %arg15[%swap3A_45], %swap3A_48 {strides = array<i32>} : memref<128xf32, #tpu.memory_space<vmem>>, vector<16xf32>,
    %barrier3A = arith.constant 0 : index
    tpu.barrier barrier_id(%barrier3A)
    %scan3A = arith.constant 0 : i32
    %scan3A_49 = arith.constant 79 : i32
    %scan3A_50 = arith.addi %scan3A, %scan3A_49 : i32
    %scan3A_51 = arith.constant 1 : i32
    scf.for %scan3A_54 = %scan3A to %scan3A_50 step %scan3A_51  : i32 {
      %mul3A_55 = arith.constant 1 : i32
      %mul3A_56 = arith.muli %scan3A_54, %mul3A_55 : i32
      %add3A_57 = arith.constant 0 : i32
      %add3A_58 = arith.addi %add3A_57, %mul3A_56 : i32
      "tpu.region"() ({
        %run_scoped3A = tpu.sem_alloc : memref<!tpu.dma_semaphore, #tpu.memory_space<semaphore_mem>>
        %dma_start3A = arith.constant 0 : i32
        %dma_start3A_59 = tpu.memref_slice %arg11[%add3A_58, %dma_start3A] : memref<79x128xi32, #tpu.memory_space<vmem>> -> memref<1x128xi32, #tpu.memory_space<vmem>>
        %dma_start3A_60 = tpu.memref_squeeze %dma_start3A_59 : memref<1x128xi32, #tpu.memory_space<vmem>> -> memref<128xi32, #tpu.memory_space<vmem>>
        %dma_start3A_61 = arith.constant 0 : i32
        %dma_start3A_62 = arith.constant 0 : i32
        %dma_start3A_63 = tpu.memref_slice %arg2[%dma_start3A_61, %dma_start3A_62] : memref<10240x128xf32, #tpu.memory_space<hbm>> -> memref<10240x128xf32, #tpu.memory_space<hbm>>
        tpu.enqueue_indirect_dma source(%dma_start3A_63 : memref<10240x128xf32, #tpu.memory_space<hbm>>) target(%arg14 : memref<128x128xf32, #tpu.memory_space<vmem>>) offsets(%dma_start3A_60 : memref<128xi32, #tpu.memory_space<vmem>>) semaphore(%run_scoped3A : memref<!tpu.dma_semaphore, #tpu.memory_space<semaphore_mem>>)
        %dma_wait3A = arith.constant 0 : i32
        %dma_wait3A_64 = tpu.memref_slice %arg11[%add3A_58, %dma_wait3A] : memref<79x128xi32, #tpu.memory_space<vmem>> -> memref<1x128xi32, #tpu.memory_space<vmem>>
        %dma_wait3A_65 = tpu.memref_squeeze %dma_wait3A_64 : memref<1x128xi32, #tpu.memory_space<vmem>> -> memref<128xi32, #tpu.memory_space<vmem>>
        %dma_wait3A_66 = arith.constant 0 : i32
        %dma_wait3A_67 = arith.constant 0 : i32
        %dma_wait3A_68 = tpu.memref_slice %arg2[%dma_wait3A_66, %dma_wait3A_67] : memref<10240x128xf32, #tpu.memory_space<hbm>> -> memref<10240x128xf32, #tpu.memory_space<hbm>>
        tpu.wait_indirect_dma semaphore(%run_scoped3A : memref<!tpu.dma_semaphore, #tpu.memory_space<semaphore_mem>>) src(%dma_wait3A_68 : memref<10240x128xf32, #tpu.memory_space<hbm>>) dst(%arg14 : memref<128x128xf32, #tpu.memory_space<vmem>>)
        tpu.yield
      }) : () -> ()
      "tpu.region"() ({
        %run_scoped3A = tpu.sem_alloc : memref<!tpu.dma_semaphore, #tpu.memory_space<semaphore_mem>>
        %dma_start3A = arith.constant 0 : i32
        %dma_start3A_59 = tpu.memref_slice %arg12[%add3A_58, %dma_start3A] : memref<79x128xi32, #tpu.memory_space<vmem>> -> memref<1x128xi32, #tpu.memory_space<vmem>>
        %dma_start3A_60 = tpu.memref_squeeze %dma_start3A_59 : memref<1x128xi32, #tpu.memory_space<vmem>> -> memref<128xi32, #tpu.memory_space<vmem>>
        %dma_start3A_61 = arith.constant 0 : i32
        %dma_start3A_62 = arith.constant 0 : i32
        %dma_start3A_63 = tpu.memref_slice %arg16[%dma_start3A_61, %dma_start3A_62] : memref<10240x128xf32, #tpu.memory_space<vmem_shared>> -> memref<10240x128xf32, #tpu.memory_space<vmem_shared>>
        tpu.enqueue_indirect_dma source(%arg14 : memref<128x128xf32, #tpu.memory_space<vmem>>) target(%dma_start3A_63 : memref<10240x128xf32, #tpu.memory_space<vmem_shared>>) offsets(%dma_start3A_60 : memref<128xi32, #tpu.memory_space<vmem>>) semaphore(%run_scoped3A : memref<!tpu.dma_semaphore, #tpu.memory_space<semaphore_mem>>) {add = true}
        %dma_wait3A = arith.constant 0 : i32
        %dma_wait3A_64 = tpu.memref_slice %arg12[%add3A_58, %dma_wait3A] : memref<79x128xi32, #tpu.memory_space<vmem>> -> memref<1x128xi32, #tpu.memory_space<vmem>>
        %dma_wait3A_65 = tpu.memref_squeeze %dma_wait3A_64 : memref<1x128xi32, #tpu.memory_space<vmem>> -> memref<128xi32, #tpu.memory_space<vmem>>
        %dma_wait3A_66 = arith.constant 0 : i32
        %dma_wait3A_67 = arith.constant 0 : i32
        %dma_wait3A_68 = tpu.memref_slice %arg16[%dma_wait3A_66, %dma_wait3A_67] : memref<10240x128xf32, #tpu.memory_space<vmem_shared>> -> memref<10240x128xf32, #tpu.memory_space<vmem_shared>>
        tpu.wait_indirect_dma semaphore(%run_scoped3A : memref<!tpu.dma_semaphore, #tpu.memory_space<semaphore_mem>>) src(%arg14 : memref<128x128xf32, #tpu.memory_space<vmem>>) dst(%dma_wait3A_68 : memref<10240x128xf32, #tpu.memory_space<vmem_shared>>)
        tpu.yield
      }) : () -> ()
      "tpu.region"() ({
        %run_scoped3A = tpu.sem_alloc : memref<!tpu.dma_semaphore, #tpu.memory_space<semaphore_mem>>
        %dma_start3A = arith.constant 0 : i32
        %dma_start3A_59 = tpu.memref_slice %arg13[%add3A_58, %dma_start3A] : memref<79x128xi32, #tpu.memory_space<vmem>> -> memref<1x128xi32, #tpu.memory_space<vmem>>
        %dma_start3A_60 = tpu.memref_squeeze %dma_start3A_59 : memref<1x128xi32, #tpu.memory_space<vmem>> -> memref<128xi32, #tpu.memory_space<vmem>>
        %dma_start3A_61 = arith.constant 0 : i32
        %dma_start3A_62 = arith.constant 0 : i32
        %dma_start3A_63 = tpu.memref_slice %arg3[%dma_start3A_61, %dma_start3A_62] : memref<512x128xf32, #tpu.memory_space<hbm>> -> memref<512x128xf32, #tpu.memory_space<hbm>>
        tpu.enqueue_indirect_dma source(%dma_start3A_63 : memref<512x128xf32, #tpu.memory_space<hbm>>) target(%arg14 : memref<128x128xf32, #tpu.memory_space<vmem>>) offsets(%dma_start3A_60 : memref<128xi32, #tpu.memory_space<vmem>>) semaphore(%run_scoped3A : memref<!tpu.dma_semaphore, #tpu.memory_space<semaphore_mem>>)
        %dma_wait3A = arith.constant 0 : i32
        %dma_wait3A_64 = tpu.memref_slice %arg13[%add3A_58, %dma_wait3A] : memref<79x128xi32, #tpu.memory_space<vmem>> -> memref<1x128xi32, #tpu.memory_space<vmem>>
        %dma_wait3A_65 = tpu.memref_squeeze %dma_wait3A_64 : memref<1x128xi32, #tpu.memory_space<vmem>> -> memref<128xi32, #tpu.memory_space<vmem>>
        %dma_wait3A_66 = arith.constant 0 : i32
        %dma_wait3A_67 = arith.constant 0 : i32
        %dma_wait3A_68 = tpu.memref_slice %arg3[%dma_wait3A_66, %dma_wait3A_67] : memref<512x128xf32, #tpu.memory_space<hbm>> -> memref<512x128xf32, #tpu.memory_space<hbm>>
        tpu.wait_indirect_dma semaphore(%run_scoped3A : memref<!tpu.dma_semaphore, #tpu.memory_space<semaphore_mem>>) src(%dma_wait3A_68 : memref<512x128xf32, #tpu.memory_space<hbm>>) dst(%arg14 : memref<128x128xf32, #tpu.memory_space<vmem>>)
        tpu.yield
      }) : () -> ()
      "tpu.region"() ({
        %run_scoped3A = tpu.sem_alloc : memref<!tpu.dma_semaphore, #tpu.memory_space<semaphore_mem>>
        %dma_start3A = arith.constant 0 : i32
        %dma_start3A_59 = tpu.memref_slice %arg12[%add3A_58, %dma_start3A] : memref<79x128xi32, #tpu.memory_space<vmem>> -> memref<1x128xi32, #tpu.memory_space<vmem>>
        %dma_start3A_60 = tpu.memref_squeeze %dma_start3A_59 : memref<1x128xi32, #tpu.memory_space<vmem>> -> memref<128xi32, #tpu.memory_space<vmem>>
        %dma_start3A_61 = arith.constant 0 : i32
        %dma_start3A_62 = arith.constant 0 : i32
        %dma_start3A_63 = tpu.memref_slice %arg16[%dma_start3A_61, %dma_start3A_62] : memref<10240x128xf32, #tpu.memory_space<vmem_shared>> -> memref<10240x128xf32, #tpu.memory_space<vmem_shared>>
        tpu.enqueue_indirect_dma source(%arg14 : memref<128x128xf32, #tpu.memory_space<vmem>>) target(%dma_start3A_63 : memref<10240x128xf32, #tpu.memory_space<vmem_shared>>) offsets(%dma_start3A_60 : memref<128xi32, #tpu.memory_space<vmem>>) semaphore(%run_scoped3A : memref<!tpu.dma_semaphore, #tpu.memory_space<semaphore_mem>>) {add = true}
        %dma_wait3A = arith.constant 0 : i32
        %dma_wait3A_64 = tpu.memref_slice %arg12[%add3A_58, %dma_wait3A] : memref<79x128xi32, #tpu.memory_space<vmem>> -> memref<1x128xi32, #tpu.memory_space<vmem>>
        %dma_wait3A_65 = tpu.memref_squeeze %dma_wait3A_64 : memref<1x128xi32, #tpu.memory_space<vmem>> -> memref<128xi32, #tpu.memory_space<vmem>>
        %dma_wait3A_66 = arith.constant 0 : i32
        %dma_wait3A_67 = arith.constant 0 : i32
        %dma_wait3A_68 = tpu.memref_slice %arg16[%dma_wait3A_66, %dma_wait3A_67] : memref<10240x128xf32, #tpu.memory_space<vmem_shared>> -> memref<10240x128xf32, #tpu.memory_space<vmem_shared>>
        tpu.wait_indirect_dma semaphore(%run_scoped3A : memref<!tpu.dma_semaphore, #tpu.memory_space<semaphore_mem>>) src(%arg14 : memref<128x128xf32, #tpu.memory_space<vmem>>) dst(%dma_wait3A_68 : memref<10240x128xf32, #tpu.memory_space<vmem_shared>>)
        tpu.yield
      }) : () -> ()
      "tpu.region"() ({
        %run_scoped3A = tpu.sem_alloc : memref<!tpu.dma_semaphore, #tpu.memory_space<semaphore_mem>>
        %dma_start3A = arith.constant 0 : i32
        %dma_start3A_59 = tpu.memref_slice %arg12[%add3A_58, %dma_start3A] : memref<79x128xi32, #tpu.memory_space<vmem>> -> memref<1x128xi32, #tpu.memory_space<vmem>>
        %dma_start3A_60 = tpu.memref_squeeze %dma_start3A_59 : memref<1x128xi32, #tpu.memory_space<vmem>> -> memref<128xi32, #tpu.memory_space<vmem>>
        %dma_start3A_61 = arith.constant 0 : i32
        %dma_start3A_62 = tpu.memref_slice %arg17[%dma_start3A_61] : memref<10240xf32, #tpu.memory_space<vmem_shared>> -> memref<10240xf32, #tpu.memory_space<vmem_shared>>
        tpu.enqueue_indirect_dma source(%arg15 : memref<128xf32, #tpu.memory_space<vmem>>) target(%dma_start3A_62 : memref<10240xf32, #tpu.memory_space<vmem_shared>>) offsets(%dma_start3A_60 : memref<128xi32, #tpu.memory_space<vmem>>) semaphore(%run_scoped3A : memref<!tpu.dma_semaphore, #tpu.memory_space<semaphore_mem>>) {add = true}
        %dma_wait3A = arith.constant 0 : i32
        %dma_wait3A_63 = tpu.memref_slice %arg12[%add3A_58, %dma_wait3A] : memref<79x128xi32, #tpu.memory_space<vmem>> -> memref<1x128xi32, #tpu.memory_space<vmem>>
        %dma_wait3A_64 = tpu.memref_squeeze %dma_wait3A_63 : memref<1x128xi32, #tpu.memory_space<vmem>> -> memref<128xi32, #tpu.memory_space<vmem>>
        %dma_wait3A_65 = arith.constant 0 : i32
        %dma_wait3A_66 = tpu.memref_slice %arg17[%dma_wait3A_65] : memref<10240xf32, #tpu.memory_space<vmem_shared>> -> memref<10240xf32, #tpu.memory_space<vmem_shared>>
        tpu.wait_indirect_dma semaphore(%run_scoped3A : memref<!tpu.dma_semaphore, #tpu.memory_space<semaphore_mem>>) src(%arg15 : memref<128xf32, #tpu.memory_space<vmem>>) dst(%dma_wait3A_66 : memref<10240xf32, #tpu.memory_space<vmem_shared>>)
        tpu.yield
      }) : () -> ()
    }
    %scan3A_52 = arith.constant 79 : i32
    %barrier3A_53 = arith.constant 0 : index
    tpu.barrier barrier_id(%barrier3A_53)
    "tpu.region"() ({
      %run_scoped3A = tpu.sem_alloc : memref<!tpu.dma_semaphore, #tpu.memory_space<semaphore_mem>>
      %dma_start3A = arith.constant 0 : i32
      %dma_start3A_54 = arith.constant 0 : i32
      %dma_start3A_55 = tpu.memref_slice %arg9[%arg0, %dma_start3A, %dma_start3A_54] : memref<2x10240x128xf32, #tpu.memory_space<hbm>> -> memref<1x10240x128xf32, #tpu.memory_space<hbm>>
      %dma_start3A_56 = tpu.memref_squeeze %dma_start3A_55 : memref<1x10240x128xf32, #tpu.memory_space<hbm>> -> memref<10240x128xf32, #tpu.memory_space<hbm>>
      %dma_start3A_57 = arith.constant 0 : i32
      %dma_start3A_58 = tpu.memref_slice %dma_start3A_56[%mul3A_2, %dma_start3A_57] : memref<10240x128xf32, #tpu.memory_space<hbm>> -> memref<640x128xf32, #tpu.memory_space<hbm>>
      %dma_start3A_59 = arith.constant 0 : i32
      %dma_start3A_60 = tpu.memref_slice %arg16[%mul3A_2, %dma_start3A_59] : memref<10240x128xf32, #tpu.memory_space<vmem_shared>> -> memref<640x128xf32, #tpu.memory_space<vmem_shared>>
      tpu.enqueue_dma source(%dma_start3A_60 : memref<640x128xf32, #tpu.memory_space<vmem_shared>>) target(%dma_start3A_58 : memref<640x128xf32, #tpu.memory_space<hbm>>) target_semaphore(%run_scoped3A : memref<!tpu.dma_semaphore, #tpu.memory_space<semaphore_mem>>)
      %dma_wait3A = arith.constant 0 : i32
      %dma_wait3A_61 = arith.constant 0 : i32
      %dma_wait3A_62 = tpu.memref_slice %arg9[%arg0, %dma_wait3A, %dma_wait3A_61] : memref<2x10240x128xf32, #tpu.memory_space<hbm>> -> memref<1x10240x128xf32, #tpu.memory_space<hbm>>
      %dma_wait3A_63 = tpu.memref_squeeze %dma_wait3A_62 : memref<1x10240x128xf32, #tpu.memory_space<hbm>> -> memref<10240x128xf32, #tpu.memory_space<hbm>>
      %dma_wait3A_64 = arith.constant 0 : i32
      %dma_wait3A_65 = tpu.memref_slice %dma_wait3A_63[%mul3A_2, %dma_wait3A_64] : memref<10240x128xf32, #tpu.memory_space<hbm>> -> memref<640x128xf32, #tpu.memory_space<hbm>>
      %dma_wait3A_66 = arith.constant 0 : i32
      %dma_wait3A_67 = tpu.memref_slice %arg16[%mul3A_2, %dma_wait3A_66] : memref<10240x128xf32, #tpu.memory_space<vmem_shared>> -> memref<640x128xf32, #tpu.memory_space<vmem_shared>>
      tpu.wait_dma2 semaphore(%run_scoped3A : memref<!tpu.dma_semaphore, #tpu.memory_space<semaphore_mem>>) src(%dma_wait3A_67 : memref<640x128xf32, #tpu.memory_space<vmem_shared>>) dst(%dma_wait3A_65 : memref<640x128xf32, #tpu.memory_space<hbm>>)
      tpu.yield
    }) : () -> ()
    "tpu.region"() ({
      %run_scoped3A = tpu.sem_alloc : memref<!tpu.dma_semaphore, #tpu.memory_space<semaphore_mem>>
      %dma_start3A = arith.constant 0 : i32
      %dma_start3A_54 = tpu.memref_slice %arg10[%arg0, %dma_start3A] : memref<2x10240xf32, #tpu.memory_space<hbm>> -> memref<1x10240xf32, #tpu.memory_space<hbm>>
      %dma_start3A_55 = tpu.memref_squeeze %dma_start3A_54 : memref<1x10240xf32, #tpu.memory_space<hbm>> -> memref<10240xf32, #tpu.memory_space<hbm>>
      %dma_start3A_56 = tpu.memref_slice %dma_start3A_55[%mul3A_2] : memref<10240xf32, #tpu.memory_space<hbm>> -> memref<640xf32, #tpu.memory_space<hbm>>
      %dma_start3A_57 = tpu.memref_slice %arg17[%mul3A_2] : memref<10240xf32, #tpu.memory_space<vmem_shared>> -> memref<640xf32, #tpu.memory_space<vmem_shared>>
      tpu.enqueue_dma source(%dma_start3A_57 : memref<640xf32, #tpu.memory_space<vmem_shared>>) target(%dma_start3A_56 : memref<640xf32, #tpu.memory_space<hbm>>) target_semaphore(%run_scoped3A : memref<!tpu.dma_semaphore, #tpu.memory_space<semaphore_mem>>)
      %dma_wait3A = arith.constant 0 : i32
      %dma_wait3A_58 = tpu.memref_slice %arg10[%arg0, %dma_wait3A] : memref<2x10240xf32, #tpu.memory_space<hbm>> -> memref<1x10240xf32, #tpu.memory_space<hbm>>
      %dma_wait3A_59 = tpu.memref_squeeze %dma_wait3A_58 : memref<1x10240xf32, #tpu.memory_space<hbm>> -> memref<10240xf32, #tpu.memory_space<hbm>>
      %dma_wait3A_60 = tpu.memref_slice %dma_wait3A_59[%mul3A_2] : memref<10240xf32, #tpu.memory_space<hbm>> -> memref<640xf32, #tpu.memory_space<hbm>>
      %dma_wait3A_61 = tpu.memref_slice %arg17[%mul3A_2] : memref<10240xf32, #tpu.memory_space<vmem_shared>> -> memref<640xf32, #tpu.memory_space<vmem_shared>>
      tpu.wait_dma2 semaphore(%run_scoped3A : memref<!tpu.dma_semaphore, #tpu.memory_space<semaphore_mem>>) src(%dma_wait3A_61 : memref<640xf32, #tpu.memory_space<vmem_shared>>) dst(%dma_wait3A_60 : memref<640xf32, #tpu.memory_space<hbm>>)
      tpu.yield
    }) : () -> ()
    return
  }
}

module attributes {stable_mosaic.version = 14 : i64} {
  func.func @_prep_body(%arg0: i32, %arg1: memref<1024x128xf32, #tpu.memory_space<vmem>>, %arg2: memref<128x128xf32, #tpu.memory_space<vmem>>, %arg3: memref<128x128xf32, #tpu.memory_space<vmem>>, %arg4: memref<1024x128xf32, #tpu.memory_space<vmem>>, %arg5: memref<1024x128xf32, #tpu.memory_space<vmem>>, %arg6: memref<1024x128xf32, #tpu.memory_space<vmem>>) attributes {dimension_semantics = [#tpu.dimension_semantics<arbitrary>], iteration_bounds = array<i64: 10>, scalar_prefetch = 0 : i64, scratch_operands = 0 : i64, tpu.core_type = #tpu.core_type<tc>, window_params = [{transform_indices = @transform_0, window_bounds = array<i64: 1024, 128>}, {pipeline_mode = #tpu.pipeline_mode<synchronous>, transform_indices = @transform_1, window_bounds = array<i64: 128, 128>}, {pipeline_mode = #tpu.pipeline_mode<synchronous>, transform_indices = @transform_2, window_bounds = array<i64: 128, 128>}, {transform_indices = @transform_3, window_bounds = array<i64: 1024, 128>}, {transform_indices = @transform_4, window_bounds = array<i64: 1024, 128>}, {transform_indices = @transform_5, window_bounds = array<i64: 1024, 128>}]} {
    %get3A = arith.constant 0 : index
    %get3A_0 = arith.constant 0 : index
    %get3A_1 = vector.load %arg1[%get3A, %get3A_0] : memref<1024x128xf32, #tpu.memory_space<vmem>>, vector<1024x128xf32>
    %mul3A = arith.mulf %get3A_1, %get3A_1 : vector<1024x128xf32>
    %reduce_sum3A = arith.constant dense<0.000000e+00> : vector<1024xf32>
    %reduce_sum3A_2 = vector.multi_reduction <add>, %mul3A, %reduce_sum3A [1] : vector<1024x128xf32> to vector<1024xf32>
    %broadcast_in_dim3A = vector.shape_cast %reduce_sum3A_2 : vector<1024xf32> to vector<1024x1xf32>
    %sqrt3A = math.sqrt %broadcast_in_dim3A : vector<1024x1xf32>
    %max3A = arith.constant 9.99999996E-13 : f32
    %max3A_3 = vector.broadcast %max3A : f32 to vector<1024x1xf32>
    %max3A_4 = arith.maximumf %sqrt3A, %max3A_3 : vector<1024x1xf32>
    %div3A = vector.broadcast %max3A_4 : vector<1024x1xf32> to vector<1024x128xf32>
    %div3A_5 = arith.divf %get3A_1, %div3A : vector<1024x128xf32>
    %swap3A = arith.constant 0 : index
    %swap3A_6 = arith.constant 0 : index
    %swap3A_7 = vector.load %arg4[%swap3A, %swap3A_6] : memref<1024x128xf32, #tpu.memory_space<vmem>>, vector<1024x128xf32>
    tpu.vector_store %arg4[%swap3A, %swap3A_6], %div3A_5 {strides = array<i32>} : memref<1024x128xf32, #tpu.memory_space<vmem>>, vector<1024x128xf32>,
    %get3A_8 = arith.constant 0 : index
    %get3A_9 = arith.constant 0 : index
    %get3A_10 = vector.load %arg2[%get3A_8, %get3A_9] : memref<128x128xf32, #tpu.memory_space<vmem>>, vector<128x128xf32>
    %dot_general3A = arith.constant dense<0.000000e+00> : vector<1024x128xf32>
    %dot_general3A_11 = tpu.matmul %div3A_5, %get3A_10, %dot_general3A {dimension_numbers = #tpu.dot_dimension_numbers<[1], [0], [0], [1], [0, 0, 1, 1], [], []>, transpose_lhs_hint = false} : vector<1024x128xf32>, vector<128x128xf32>, vector<1024x128xf32> -> vector<1024x128xf32>
    %swap3A_12 = arith.constant 0 : index
    %swap3A_13 = arith.constant 0 : index
    %swap3A_14 = vector.load %arg5[%swap3A_12, %swap3A_13] : memref<1024x128xf32, #tpu.memory_space<vmem>>, vector<1024x128xf32>
    tpu.vector_store %arg5[%swap3A_12, %swap3A_13], %dot_general3A_11 {strides = array<i32>} : memref<1024x128xf32, #tpu.memory_space<vmem>>, vector<1024x128xf32>,
    %get3A_15 = arith.constant 0 : index
    %get3A_16 = arith.constant 0 : index
    %get3A_17 = vector.load %arg3[%get3A_15, %get3A_16] : memref<128x128xf32, #tpu.memory_space<vmem>>, vector<128x128xf32>
    %dot_general3A_18 = arith.constant dense<0.000000e+00> : vector<1024x128xf32>
    %dot_general3A_19 = tpu.matmul %div3A_5, %get3A_17, %dot_general3A_18 {dimension_numbers = #tpu.dot_dimension_numbers<[1], [0], [0], [1], [0, 0, 1, 1], [], []>, transpose_lhs_hint = false} : vector<1024x128xf32>, vector<128x128xf32>, vector<1024x128xf32> -> vector<1024x128xf32>
    %swap3A_20 = arith.constant 0 : index
    %swap3A_21 = arith.constant 0 : index
    %swap3A_22 = vector.load %arg6[%swap3A_20, %swap3A_21] : memref<1024x128xf32, #tpu.memory_space<vmem>>, vector<1024x128xf32>
    tpu.vector_store %arg6[%swap3A_20, %swap3A_21], %dot_general3A_19 {strides = array<i32>} : memref<1024x128xf32, #tpu.memory_space<vmem>>, vector<1024x128xf32>,
    return
  }
  func.func @transform_0(%arg0: i32) -> (i32, i32) {
    %c0_i32 = arith.constant 0 : i32
    %c0_i32_0 = arith.constant 0 : i32
    return %arg0, %c0_i32 : i32, i32
  }
  func.func @transform_1(%arg0: i32) -> (i32, i32) {
    %c0_i32 = arith.constant 0 : i32
    %c0_i32_0 = arith.constant 0 : i32
    %c0_i32_1 = arith.constant 0 : i32
    return %c0_i32, %c0_i32_0 : i32, i32
  }
  func.func @transform_2(%arg0: i32) -> (i32, i32) {
    %c0_i32 = arith.constant 0 : i32
    %c0_i32_0 = arith.constant 0 : i32
    %c0_i32_1 = arith.constant 0 : i32
    return %c0_i32, %c0_i32_0 : i32, i32
  }
  func.func @transform_3(%arg0: i32) -> (i32, i32) {
    %c0_i32 = arith.constant 0 : i32
    %c0_i32_0 = arith.constant 0 : i32
    return %arg0, %c0_i32 : i32, i32
  }
  func.func @transform_4(%arg0: i32) -> (i32, i32) {
    %c0_i32 = arith.constant 0 : i32
    %c0_i32_0 = arith.constant 0 : i32
    return %arg0, %c0_i32 : i32, i32
  }
  func.func @transform_5(%arg0: i32) -> (i32, i32) {
    %c0_i32 = arith.constant 0 : i32
    %c0_i32_0 = arith.constant 0 : i32
    return %arg0, %c0_i32 : i32, i32
  }
}

module attributes {stable_mosaic.version = 14 : i64} {
  func.func @_rel_body(%arg0: i32, %arg1: memref<512x128xf32, #tpu.memory_space<vmem>>, %arg2: memref<128x128xf32, #tpu.memory_space<vmem>>, %arg3: memref<128x128xf32, #tpu.memory_space<vmem>>, %arg4: memref<512x128xf32, #tpu.memory_space<vmem>>, %arg5: memref<512x128xf32, #tpu.memory_space<vmem>>) attributes {dimension_semantics = [#tpu.dimension_semantics<arbitrary>], iteration_bounds = array<i64: 1>, scalar_prefetch = 0 : i64, scratch_operands = 0 : i64, tpu.core_type = #tpu.core_type<tc>, window_params = [{pipeline_mode = #tpu.pipeline_mode<synchronous>, transform_indices = @transform_0, window_bounds = array<i64: 512, 128>}, {pipeline_mode = #tpu.pipeline_mode<synchronous>, transform_indices = @transform_1, window_bounds = array<i64: 128, 128>}, {pipeline_mode = #tpu.pipeline_mode<synchronous>, transform_indices = @transform_2, window_bounds = array<i64: 128, 128>}, {pipeline_mode = #tpu.pipeline_mode<synchronous>, transform_indices = @transform_3, window_bounds = array<i64: 512, 128>}, {pipeline_mode = #tpu.pipeline_mode<synchronous>, transform_indices = @transform_4, window_bounds = array<i64: 512, 128>}]} {
    %get3A = arith.constant 0 : index
    %get3A_0 = arith.constant 0 : index
    %get3A_1 = vector.load %arg1[%get3A, %get3A_0] : memref<512x128xf32, #tpu.memory_space<vmem>>, vector<512x128xf32>
    %get3A_2 = arith.constant 0 : index
    %get3A_3 = arith.constant 0 : index
    %get3A_4 = vector.load %arg2[%get3A_2, %get3A_3] : memref<128x128xf32, #tpu.memory_space<vmem>>, vector<128x128xf32>
    %dot_general3A = arith.constant dense<0.000000e+00> : vector<512x128xf32>
    %dot_general3A_5 = tpu.matmul %get3A_1, %get3A_4, %dot_general3A {dimension_numbers = #tpu.dot_dimension_numbers<[1], [0], [0], [1], [0, 0, 1, 1], [], []>, transpose_lhs_hint = false} : vector<512x128xf32>, vector<128x128xf32>, vector<512x128xf32> -> vector<512x128xf32>
    %neg3A = arith.constant 0.000000e+00 : f32
    %neg3A_6 = vector.broadcast %neg3A : f32 to vector<512x128xf32>
    %neg3A_7 = arith.subf %neg3A_6, %dot_general3A_5 : vector<512x128xf32>
    %swap3A = arith.constant 0 : index
    %swap3A_8 = arith.constant 0 : index
    %swap3A_9 = vector.load %arg4[%swap3A, %swap3A_8] : memref<512x128xf32, #tpu.memory_space<vmem>>, vector<512x128xf32>
    tpu.vector_store %arg4[%swap3A, %swap3A_8], %neg3A_7 {strides = array<i32>} : memref<512x128xf32, #tpu.memory_space<vmem>>, vector<512x128xf32>,
    %get3A_10 = arith.constant 0 : index
    %get3A_11 = arith.constant 0 : index
    %get3A_12 = vector.load %arg3[%get3A_10, %get3A_11] : memref<128x128xf32, #tpu.memory_space<vmem>>, vector<128x128xf32>
    %dot_general3A_13 = arith.constant dense<0.000000e+00> : vector<512x128xf32>
    %dot_general3A_14 = tpu.matmul %get3A_1, %get3A_12, %dot_general3A_13 {dimension_numbers = #tpu.dot_dimension_numbers<[1], [0], [0], [1], [0, 0, 1, 1], [], []>, transpose_lhs_hint = false} : vector<512x128xf32>, vector<128x128xf32>, vector<512x128xf32> -> vector<512x128xf32>
    %neg3A_15 = arith.constant 0.000000e+00 : f32
    %neg3A_16 = vector.broadcast %neg3A_15 : f32 to vector<512x128xf32>
    %neg3A_17 = arith.subf %neg3A_16, %dot_general3A_14 : vector<512x128xf32>
    %swap3A_18 = arith.constant 0 : index
    %swap3A_19 = arith.constant 0 : index
    %swap3A_20 = vector.load %arg5[%swap3A_18, %swap3A_19] : memref<512x128xf32, #tpu.memory_space<vmem>>, vector<512x128xf32>
    tpu.vector_store %arg5[%swap3A_18, %swap3A_19], %neg3A_17 {strides = array<i32>} : memref<512x128xf32, #tpu.memory_space<vmem>>, vector<512x128xf32>,
    return
  }
  func.func @transform_0(%arg0: i32) -> (i32, i32) {
    %c0_i32 = arith.constant 0 : i32
    %c0_i32_0 = arith.constant 0 : i32
    %c0_i32_1 = arith.constant 0 : i32
    return %c0_i32, %c0_i32_0 : i32, i32
  }
  func.func @transform_1(%arg0: i32) -> (i32, i32) {
    %c0_i32 = arith.constant 0 : i32
    %c0_i32_0 = arith.constant 0 : i32
    %c0_i32_1 = arith.constant 0 : i32
    return %c0_i32, %c0_i32_0 : i32, i32
  }
  func.func @transform_2(%arg0: i32) -> (i32, i32) {
    %c0_i32 = arith.constant 0 : i32
    %c0_i32_0 = arith.constant 0 : i32
    %c0_i32_1 = arith.constant 0 : i32
    return %c0_i32, %c0_i32_0 : i32, i32
  }
  func.func @transform_3(%arg0: i32) -> (i32, i32) {
    %c0_i32 = arith.constant 0 : i32
    %c0_i32_0 = arith.constant 0 : i32
    %c0_i32_1 = arith.constant 0 : i32
    return %c0_i32, %c0_i32_0 : i32, i32
  }
  func.func @transform_4(%arg0: i32) -> (i32, i32) {
    %c0_i32 = arith.constant 0 : i32
    %c0_i32_0 = arith.constant 0 : i32
    %c0_i32_1 = arith.constant 0 : i32
    return %c0_i32, %c0_i32_0 : i32, i32
  }
}

module attributes {stable_mosaic.version = 14 : i64} {
  func.func @_combine_body(%arg0: i32, %arg1: memref<1024x128xf32, #tpu.memory_space<vmem>>, %arg2: memref<1024x128xf32, #tpu.memory_space<vmem>>, %arg3: memref<1024x1xf32, #tpu.memory_space<vmem>>, %arg4: memref<1024x1xf32, #tpu.memory_space<vmem>>, %arg5: memref<1024x128xf32, #tpu.memory_space<vmem>>, %arg6: memref<128x128xf32, #tpu.memory_space<vmem>>, %arg7: memref<128x128xf32, #tpu.memory_space<vmem>>, %arg8: memref<1024x128xf32, #tpu.memory_space<vmem>>, %arg9: memref<1024x128xf32, #tpu.memory_space<vmem>>) attributes {dimension_semantics = [#tpu.dimension_semantics<arbitrary>], iteration_bounds = array<i64: 10>, scalar_prefetch = 0 : i64, scratch_operands = 0 : i64, tpu.core_type = #tpu.core_type<tc>, window_params = [{transform_indices = @transform_0, window_bounds = array<i64: 1024, 128>}, {transform_indices = @transform_1, window_bounds = array<i64: 1024, 128>}, {transform_indices = @transform_2, window_bounds = array<i64: 1024, 1>}, {transform_indices = @transform_3, window_bounds = array<i64: 1024, 1>}, {transform_indices = @transform_4, window_bounds = array<i64: 1024, 128>}, {pipeline_mode = #tpu.pipeline_mode<synchronous>, transform_indices = @transform_5, window_bounds = array<i64: 128, 128>}, {pipeline_mode = #tpu.pipeline_mode<synchronous>, transform_indices = @transform_6, window_bounds = array<i64: 128, 128>}, {transform_indices = @transform_7, window_bounds = array<i64: 1024, 128>}, {transform_indices = @transform_8, window_bounds = array<i64: 1024, 128>}]} {
    %get3A = arith.constant 0 : index
    %get3A_0 = arith.constant 0 : index
    %get3A_1 = vector.load %arg3[%get3A, %get3A_0] : memref<1024x1xf32, #tpu.memory_space<vmem>>, vector<1024x1xf32>
    %get3A_2 = arith.constant 0 : index
    %get3A_3 = arith.constant 0 : index
    %get3A_4 = vector.load %arg4[%get3A_2, %get3A_3] : memref<1024x1xf32, #tpu.memory_space<vmem>>, vector<1024x1xf32>
    %add3A = arith.addf %get3A_1, %get3A_4 : vector<1024x1xf32>
    %max3A = arith.constant 1.000000e+00 : f32
    %max3A_5 = vector.broadcast %max3A : f32 to vector<1024x1xf32>
    %max3A_6 = arith.maximumf %add3A, %max3A_5 : vector<1024x1xf32>
    %get3A_7 = arith.constant 0 : index
    %get3A_8 = arith.constant 0 : index
    %get3A_9 = vector.load %arg1[%get3A_7, %get3A_8] : memref<1024x128xf32, #tpu.memory_space<vmem>>, vector<1024x128xf32>
    %get3A_10 = arith.constant 0 : index
    %get3A_11 = arith.constant 0 : index
    %get3A_12 = vector.load %arg2[%get3A_10, %get3A_11] : memref<1024x128xf32, #tpu.memory_space<vmem>>, vector<1024x128xf32>
    %add3A_13 = arith.addf %get3A_9, %get3A_12 : vector<1024x128xf32>
    %div3A = vector.broadcast %max3A_6 : vector<1024x1xf32> to vector<1024x128xf32>
    %div3A_14 = arith.divf %add3A_13, %div3A : vector<1024x128xf32>
    %get3A_15 = arith.constant 0 : index
    %get3A_16 = arith.constant 0 : index
    %get3A_17 = vector.load %arg5[%get3A_15, %get3A_16] : memref<1024x128xf32, #tpu.memory_space<vmem>>, vector<1024x128xf32>
    %add3A_18 = arith.addf %div3A_14, %get3A_17 : vector<1024x128xf32>
    %ge3A = arith.constant 0.000000e+00 : f32
    %ge3A_19 = vector.broadcast %ge3A : f32 to vector<1024x128xf32>
    %ge3A_20 = arith.cmpf oge, %add3A_18, %ge3A_19 : vector<1024x128xf32>
    %mul3A = arith.constant 0.229166672 : f32
    %mul3A_21 = vector.broadcast %mul3A : f32 to vector<1024x128xf32>
    %mul3A_22 = arith.mulf %add3A_18, %mul3A_21 : vector<1024x128xf32>
    %select_n3A = arith.select %ge3A_20, %add3A_18, %mul3A_22 : vector<1024x128xi1>, vector<1024x128xf32>
    %mul3A_23 = arith.mulf %select_n3A, %select_n3A : vector<1024x128xf32>
    %reduce_sum3A = arith.constant dense<0.000000e+00> : vector<1024xf32>
    %reduce_sum3A_24 = vector.multi_reduction <add>, %mul3A_23, %reduce_sum3A [1] : vector<1024x128xf32> to vector<1024xf32>
    %broadcast_in_dim3A = vector.shape_cast %reduce_sum3A_24 : vector<1024xf32> to vector<1024x1xf32>
    %sqrt3A = math.sqrt %broadcast_in_dim3A : vector<1024x1xf32>
    %max3A_25 = arith.constant 9.99999996E-13 : f32
    %max3A_26 = vector.broadcast %max3A_25 : f32 to vector<1024x1xf32>
    %max3A_27 = arith.maximumf %sqrt3A, %max3A_26 : vector<1024x1xf32>
    %div3A_28 = vector.broadcast %max3A_27 : vector<1024x1xf32> to vector<1024x128xf32>
    %div3A_29 = arith.divf %select_n3A, %div3A_28 : vector<1024x128xf32>
    %get3A_30 = arith.constant 0 : index
    %get3A_31 = arith.constant 0 : index
    %get3A_32 = vector.load %arg6[%get3A_30, %get3A_31] : memref<128x128xf32, #tpu.memory_space<vmem>>, vector<128x128xf32>
    %dot_general3A = arith.constant dense<0.000000e+00> : vector<1024x128xf32>
    %dot_general3A_33 = tpu.matmul %div3A_29, %get3A_32, %dot_general3A {dimension_numbers = #tpu.dot_dimension_numbers<[1], [0], [0], [1], [0, 0, 1, 1], [], []>, transpose_lhs_hint = false} : vector<1024x128xf32>, vector<128x128xf32>, vector<1024x128xf32> -> vector<1024x128xf32>
    %swap3A = arith.constant 0 : index
    %swap3A_34 = arith.constant 0 : index
    %swap3A_35 = vector.load %arg8[%swap3A, %swap3A_34] : memref<1024x128xf32, #tpu.memory_space<vmem>>, vector<1024x128xf32>
    tpu.vector_store %arg8[%swap3A, %swap3A_34], %dot_general3A_33 {strides = array<i32>} : memref<1024x128xf32, #tpu.memory_space<vmem>>, vector<1024x128xf32>,
    %get3A_36 = arith.constant 0 : index
    %get3A_37 = arith.constant 0 : index
    %get3A_38 = vector.load %arg7[%get3A_36, %get3A_37] : memref<128x128xf32, #tpu.memory_space<vmem>>, vector<128x128xf32>
    %dot_general3A_39 = arith.constant dense<0.000000e+00> : vector<1024x128xf32>
    %dot_general3A_40 = tpu.matmul %div3A_29, %get3A_38, %dot_general3A_39 {dimension_numbers = #tpu.dot_dimension_numbers<[1], [0], [0], [1], [0, 0, 1, 1], [], []>, transpose_lhs_hint = false} : vector<1024x128xf32>, vector<128x128xf32>, vector<1024x128xf32> -> vector<1024x128xf32>
    %swap3A_41 = arith.constant 0 : index
    %swap3A_42 = arith.constant 0 : index
    %swap3A_43 = vector.load %arg9[%swap3A_41, %swap3A_42] : memref<1024x128xf32, #tpu.memory_space<vmem>>, vector<1024x128xf32>
    tpu.vector_store %arg9[%swap3A_41, %swap3A_42], %dot_general3A_40 {strides = array<i32>} : memref<1024x128xf32, #tpu.memory_space<vmem>>, vector<1024x128xf32>,
    return
  }
  func.func @transform_0(%arg0: i32) -> (i32, i32) {
    %c0_i32 = arith.constant 0 : i32
    %c0_i32_0 = arith.constant 0 : i32
    return %arg0, %c0_i32 : i32, i32
  }
  func.func @transform_1(%arg0: i32) -> (i32, i32) {
    %c0_i32 = arith.constant 0 : i32
    %c0_i32_0 = arith.constant 0 : i32
    return %arg0, %c0_i32 : i32, i32
  }
  func.func @transform_2(%arg0: i32) -> (i32, i32) {
    %c0_i32 = arith.constant 0 : i32
    %c0_i32_0 = arith.constant 0 : i32
    return %arg0, %c0_i32 : i32, i32
  }
  func.func @transform_3(%arg0: i32) -> (i32, i32) {
    %c0_i32 = arith.constant 0 : i32
    %c0_i32_0 = arith.constant 0 : i32
    return %arg0, %c0_i32 : i32, i32
  }
  func.func @transform_4(%arg0: i32) -> (i32, i32) {
    %c0_i32 = arith.constant 0 : i32
    %c0_i32_0 = arith.constant 0 : i32
    return %arg0, %c0_i32 : i32, i32
  }
  func.func @transform_5(%arg0: i32) -> (i32, i32) {
    %c0_i32 = arith.constant 0 : i32
    %c0_i32_0 = arith.constant 0 : i32
    %c0_i32_1 = arith.constant 0 : i32
    return %c0_i32, %c0_i32_0 : i32, i32
  }
  func.func @transform_6(%arg0: i32) -> (i32, i32) {
    %c0_i32 = arith.constant 0 : i32
    %c0_i32_0 = arith.constant 0 : i32
    %c0_i32_1 = arith.constant 0 : i32
    return %c0_i32, %c0_i32_0 : i32, i32
  }
  func.func @transform_7(%arg0: i32) -> (i32, i32) {
    %c0_i32 = arith.constant 0 : i32
    %c0_i32_0 = arith.constant 0 : i32
    return %arg0, %c0_i32 : i32, i32
  }
  func.func @transform_8(%arg0: i32) -> (i32, i32) {
    %c0_i32 = arith.constant 0 : i32
    %c0_i32_0 = arith.constant 0 : i32
    return %arg0, %c0_i32 : i32, i32
  }
}

module attributes {stable_mosaic.version = 14 : i64} {
  func.func @_final_body(%arg0: i32, %arg1: memref<1024x128xf32, #tpu.memory_space<vmem>>, %arg2: memref<1024x128xf32, #tpu.memory_space<vmem>>, %arg3: memref<1024x1xf32, #tpu.memory_space<vmem>>, %arg4: memref<1024x1xf32, #tpu.memory_space<vmem>>, %arg5: memref<1024x128xf32, #tpu.memory_space<vmem>>, %arg6: memref<1024x128xf32, #tpu.memory_space<vmem>>, %arg7: memref<384x128xf32, #tpu.memory_space<vmem>>, %arg8: memref<384x128xf32, #tpu.memory_space<vmem>>, %arg9: memref<1x384xf32, #tpu.memory_space<vmem>>, %arg10: memref<1x384xf32, #tpu.memory_space<vmem>>, %arg11: memref<1024x128xf32, #tpu.memory_space<vmem>>) attributes {dimension_semantics = [#tpu.dimension_semantics<arbitrary>], iteration_bounds = array<i64: 10>, scalar_prefetch = 0 : i64, scratch_operands = 0 : i64, tpu.core_type = #tpu.core_type<tc>, window_params = [{transform_indices = @transform_0, window_bounds = array<i64: 1024, 128>}, {transform_indices = @transform_1, window_bounds = array<i64: 1024, 128>}, {transform_indices = @transform_2, window_bounds = array<i64: 1024, 1>}, {transform_indices = @transform_3, window_bounds = array<i64: 1024, 1>}, {transform_indices = @transform_4, window_bounds = array<i64: 1024, 128>}, {transform_indices = @transform_5, window_bounds = array<i64: 1024, 128>}, {pipeline_mode = #tpu.pipeline_mode<synchronous>, transform_indices = @transform_6, window_bounds = array<i64: 384, 128>}, {pipeline_mode = #tpu.pipeline_mode<synchronous>, transform_indices = @transform_7, window_bounds = array<i64: 384, 128>}, {pipeline_mode = #tpu.pipeline_mode<synchronous>, transform_indices = @transform_8, window_bounds = array<i64: 1, 384>}, {pipeline_mode = #tpu.pipeline_mode<synchronous>, transform_indices = @transform_9, window_bounds = array<i64: 1, 384>}, {transform_indices = @transform_10, window_bounds = array<i64: 1024, 128>}]} {
    %get3A = arith.constant 0 : index
    %get3A_0 = arith.constant 0 : index
    %get3A_1 = vector.load %arg3[%get3A, %get3A_0] : memref<1024x1xf32, #tpu.memory_space<vmem>>, vector<1024x1xf32>
    %get3A_2 = arith.constant 0 : index
    %get3A_3 = arith.constant 0 : index
    %get3A_4 = vector.load %arg4[%get3A_2, %get3A_3] : memref<1024x1xf32, #tpu.memory_space<vmem>>, vector<1024x1xf32>
    %add3A = arith.addf %get3A_1, %get3A_4 : vector<1024x1xf32>
    %max3A = arith.constant 1.000000e+00 : f32
    %max3A_5 = vector.broadcast %max3A : f32 to vector<1024x1xf32>
    %max3A_6 = arith.maximumf %add3A, %max3A_5 : vector<1024x1xf32>
    %get3A_7 = arith.constant 0 : index
    %get3A_8 = arith.constant 0 : index
    %get3A_9 = vector.load %arg1[%get3A_7, %get3A_8] : memref<1024x128xf32, #tpu.memory_space<vmem>>, vector<1024x128xf32>
    %get3A_10 = arith.constant 0 : index
    %get3A_11 = arith.constant 0 : index
    %get3A_12 = vector.load %arg2[%get3A_10, %get3A_11] : memref<1024x128xf32, #tpu.memory_space<vmem>>, vector<1024x128xf32>
    %add3A_13 = arith.addf %get3A_9, %get3A_12 : vector<1024x128xf32>
    %div3A = vector.broadcast %max3A_6 : vector<1024x1xf32> to vector<1024x128xf32>
    %div3A_14 = arith.divf %add3A_13, %div3A : vector<1024x128xf32>
    %get3A_15 = arith.constant 0 : index
    %get3A_16 = arith.constant 0 : index
    %get3A_17 = vector.load %arg5[%get3A_15, %get3A_16] : memref<1024x128xf32, #tpu.memory_space<vmem>>, vector<1024x128xf32>
    %add3A_18 = arith.addf %div3A_14, %get3A_17 : vector<1024x128xf32>
    %ge3A = arith.constant 0.000000e+00 : f32
    %ge3A_19 = vector.broadcast %ge3A : f32 to vector<1024x128xf32>
    %ge3A_20 = arith.cmpf oge, %add3A_18, %ge3A_19 : vector<1024x128xf32>
    %mul3A = arith.constant 0.229166672 : f32
    %mul3A_21 = vector.broadcast %mul3A : f32 to vector<1024x128xf32>
    %mul3A_22 = arith.mulf %add3A_18, %mul3A_21 : vector<1024x128xf32>
    %select_n3A = arith.select %ge3A_20, %add3A_18, %mul3A_22 : vector<1024x128xi1>, vector<1024x128xf32>
    %mul3A_23 = arith.mulf %select_n3A, %select_n3A : vector<1024x128xf32>
    %reduce_sum3A = arith.constant dense<0.000000e+00> : vector<1024xf32>
    %reduce_sum3A_24 = vector.multi_reduction <add>, %mul3A_23, %reduce_sum3A [1] : vector<1024x128xf32> to vector<1024xf32>
    %broadcast_in_dim3A = vector.shape_cast %reduce_sum3A_24 : vector<1024xf32> to vector<1024x1xf32>
    %sqrt3A = math.sqrt %broadcast_in_dim3A : vector<1024x1xf32>
    %max3A_25 = arith.constant 9.99999996E-13 : f32
    %max3A_26 = vector.broadcast %max3A_25 : f32 to vector<1024x1xf32>
    %max3A_27 = arith.maximumf %sqrt3A, %max3A_26 : vector<1024x1xf32>
    %div3A_28 = vector.broadcast %max3A_27 : vector<1024x1xf32> to vector<1024x128xf32>
    %div3A_29 = arith.divf %select_n3A, %div3A_28 : vector<1024x128xf32>
    %get3A_30 = arith.constant 0 : index
    %get3A_31 = arith.constant 0 : index
    %get3A_32 = vector.load %arg6[%get3A_30, %get3A_31] : memref<1024x128xf32, #tpu.memory_space<vmem>>, vector<1024x128xf32>
    %get3A_33 = arith.constant 0 : index
    %get3A_34 = arith.constant 0 : index
    %get3A_35 = vector.load %arg7[%get3A_33, %get3A_34] : memref<384x128xf32, #tpu.memory_space<vmem>>, vector<384x128xf32>
    %dot_general3A = arith.constant dense<0.000000e+00> : vector<1024x384xf32>
    %dot_general3A_36 = tpu.matmul %div3A_29, %get3A_35, %dot_general3A {dimension_numbers = #tpu.dot_dimension_numbers<[1], [1], [0], [0], [0, 0, 1, 0], [], []>, transpose_lhs_hint = false} : vector<1024x128xf32>, vector<384x128xf32>, vector<1024x384xf32> -> vector<1024x384xf32>
    %get3A_37 = arith.constant 0 : index
    %get3A_38 = arith.constant 0 : index
    %get3A_39 = vector.load %arg9[%get3A_37, %get3A_38] : memref<1x384xf32, #tpu.memory_space<vmem>>, vector<1x384xf32>
    %add3A_40 = vector.broadcast %get3A_39 : vector<1x384xf32> to vector<1024x384xf32>
    %add3A_41 = arith.addf %dot_general3A_36, %add3A_40 : vector<1024x384xf32>
    %get3A_42 = arith.constant 0 : index
    %get3A_43 = arith.constant 0 : index
    %get3A_44 = vector.load %arg8[%get3A_42, %get3A_43] : memref<384x128xf32, #tpu.memory_space<vmem>>, vector<384x128xf32>
    %dot_general3A_45 = arith.constant dense<0.000000e+00> : vector<1024x384xf32>
    %dot_general3A_46 = tpu.matmul %get3A_32, %get3A_44, %dot_general3A_45 {dimension_numbers = #tpu.dot_dimension_numbers<[1], [1], [0], [0], [0, 0, 1, 0], [], []>, transpose_lhs_hint = false} : vector<1024x128xf32>, vector<384x128xf32>, vector<1024x384xf32> -> vector<1024x384xf32>
    %get3A_47 = arith.constant 0 : index
    %get3A_48 = arith.constant 0 : index
    %get3A_49 = vector.load %arg10[%get3A_47, %get3A_48] : memref<1x384xf32, #tpu.memory_space<vmem>>, vector<1x384xf32>
    %add3A_50 = vector.broadcast %get3A_49 : vector<1x384xf32> to vector<1024x384xf32>
    %add3A_51 = arith.addf %dot_general3A_46, %add3A_50 : vector<1024x384xf32>
    %slice3A = vector.extract_strided_slice %add3A_41 {offsets = [0, 0], sizes = [1024, 128], strides = [1, 1]} : vector<1024x384xf32> to vector<1024x128xf32>
    %slice3A_52 = vector.extract_strided_slice %add3A_51 {offsets = [0, 0], sizes = [1024, 128], strides = [1, 1]} : vector<1024x384xf32> to vector<1024x128xf32>
    %add3A_53 = arith.addf %slice3A, %slice3A_52 : vector<1024x128xf32>
    %logistic3A = arith.negf %add3A_53 : vector<1024x128xf32>
    %logistic3A_54 = math.exp %logistic3A : vector<1024x128xf32>
    %logistic3A_55 = arith.constant 1.000000e+00 : f32
    %logistic3A_56 = vector.broadcast %logistic3A_55 : f32 to vector<1024x128xf32>
    %logistic3A_57 = arith.addf %logistic3A_56, %logistic3A_54 : vector<1024x128xf32>
    %logistic3A_58 = arith.divf %logistic3A_56, %logistic3A_57 : vector<1024x128xf32>
    %slice3A_59 = vector.extract_strided_slice %add3A_41 {offsets = [0, 128], sizes = [1024, 128], strides = [1, 1]} : vector<1024x384xf32> to vector<1024x128xf32>
    %slice3A_60 = vector.extract_strided_slice %add3A_51 {offsets = [0, 128], sizes = [1024, 128], strides = [1, 1]} : vector<1024x384xf32> to vector<1024x128xf32>
    %add3A_61 = arith.addf %slice3A_59, %slice3A_60 : vector<1024x128xf32>
    %logistic3A_62 = arith.negf %add3A_61 : vector<1024x128xf32>
    %logistic3A_63 = math.exp %logistic3A_62 : vector<1024x128xf32>
    %logistic3A_64 = arith.constant 1.000000e+00 : f32
    %logistic3A_65 = vector.broadcast %logistic3A_64 : f32 to vector<1024x128xf32>
    %logistic3A_66 = arith.addf %logistic3A_65, %logistic3A_63 : vector<1024x128xf32>
    %logistic3A_67 = arith.divf %logistic3A_65, %logistic3A_66 : vector<1024x128xf32>
    %slice3A_68 = vector.extract_strided_slice %add3A_41 {offsets = [0, 256], sizes = [1024, 128], strides = [1, 1]} : vector<1024x384xf32> to vector<1024x128xf32>
    %slice3A_69 = vector.extract_strided_slice %add3A_51 {offsets = [0, 256], sizes = [1024, 128], strides = [1, 1]} : vector<1024x384xf32> to vector<1024x128xf32>
    %mul3A_70 = arith.mulf %logistic3A_58, %slice3A_69 : vector<1024x128xf32>
    %add3A_71 = arith.addf %slice3A_68, %mul3A_70 : vector<1024x128xf32>
    %tanh3A = math.tanh %add3A_71 : vector<1024x128xf32>
    %sub3A = arith.constant 1.000000e+00 : f32
    %sub3A_72 = vector.broadcast %sub3A : f32 to vector<1024x128xf32>
    %sub3A_73 = arith.subf %sub3A_72, %logistic3A_67 : vector<1024x128xf32>
    %mul3A_74 = arith.mulf %sub3A_73, %tanh3A : vector<1024x128xf32>
    %mul3A_75 = arith.mulf %logistic3A_67, %get3A_32 : vector<1024x128xf32>
    %add3A_76 = arith.addf %mul3A_74, %mul3A_75 : vector<1024x128xf32>
    %mul3A_77 = arith.mulf %add3A_76, %add3A_76 : vector<1024x128xf32>
    %reduce_sum3A_78 = arith.constant dense<0.000000e+00> : vector<1024xf32>
    %reduce_sum3A_79 = vector.multi_reduction <add>, %mul3A_77, %reduce_sum3A_78 [1] : vector<1024x128xf32> to vector<1024xf32>
    %broadcast_in_dim3A_80 = vector.shape_cast %reduce_sum3A_79 : vector<1024xf32> to vector<1024x1xf32>
    %sqrt3A_81 = math.sqrt %broadcast_in_dim3A_80 : vector<1024x1xf32>
    %max3A_82 = arith.constant 9.99999996E-13 : f32
    %max3A_83 = vector.broadcast %max3A_82 : f32 to vector<1024x1xf32>
    %max3A_84 = arith.maximumf %sqrt3A_81, %max3A_83 : vector<1024x1xf32>
    %div3A_85 = vector.broadcast %max3A_84 : vector<1024x1xf32> to vector<1024x128xf32>
    %div3A_86 = arith.divf %add3A_76, %div3A_85 : vector<1024x128xf32>
    %swap3A = arith.constant 0 : index
    %swap3A_87 = arith.constant 0 : index
    %swap3A_88 = vector.load %arg11[%swap3A, %swap3A_87] : memref<1024x128xf32, #tpu.memory_space<vmem>>, vector<1024x128xf32>
    tpu.vector_store %arg11[%swap3A, %swap3A_87], %div3A_86 {strides = array<i32>} : memref<1024x128xf32, #tpu.memory_space<vmem>>, vector<1024x128xf32>,
    return
  }
  func.func @transform_0(%arg0: i32) -> (i32, i32) {
    %c0_i32 = arith.constant 0 : i32
    %c0_i32_0 = arith.constant 0 : i32
    return %arg0, %c0_i32 : i32, i32
  }
  func.func @transform_1(%arg0: i32) -> (i32, i32) {
    %c0_i32 = arith.constant 0 : i32
    %c0_i32_0 = arith.constant 0 : i32
    return %arg0, %c0_i32 : i32, i32
  }
  func.func @transform_2(%arg0: i32) -> (i32, i32) {
    %c0_i32 = arith.constant 0 : i32
    %c0_i32_0 = arith.constant 0 : i32
    return %arg0, %c0_i32 : i32, i32
  }
  func.func @transform_3(%arg0: i32) -> (i32, i32) {
    %c0_i32 = arith.constant 0 : i32
    %c0_i32_0 = arith.constant 0 : i32
    return %arg0, %c0_i32 : i32, i32
  }
  func.func @transform_4(%arg0: i32) -> (i32, i32) {
    %c0_i32 = arith.constant 0 : i32
    %c0_i32_0 = arith.constant 0 : i32
    return %arg0, %c0_i32 : i32, i32
  }
  func.func @transform_5(%arg0: i32) -> (i32, i32) {
    %c0_i32 = arith.constant 0 : i32
    %c0_i32_0 = arith.constant 0 : i32
    return %arg0, %c0_i32 : i32, i32
  }
  func.func @transform_6(%arg0: i32) -> (i32, i32) {
    %c0_i32 = arith.constant 0 : i32
    %c0_i32_0 = arith.constant 0 : i32
    %c0_i32_1 = arith.constant 0 : i32
    return %c0_i32, %c0_i32_0 : i32, i32
  }
  func.func @transform_7(%arg0: i32) -> (i32, i32) {
    %c0_i32 = arith.constant 0 : i32
    %c0_i32_0 = arith.constant 0 : i32
    %c0_i32_1 = arith.constant 0 : i32
    return %c0_i32, %c0_i32_0 : i32, i32
  }
  func.func @transform_8(%arg0: i32) -> (i32, i32) {
    %c0_i32 = arith.constant 0 : i32
    %c0_i32_0 = arith.constant 0 : i32
    %c0_i32_1 = arith.constant 0 : i32
    return %c0_i32, %c0_i32_0 : i32, i32
  }
  func.func @transform_9(%arg0: i32) -> (i32, i32) {
    %c0_i32 = arith.constant 0 : i32
    %c0_i32_0 = arith.constant 0 : i32
    %c0_i32_1 = arith.constant 0 : i32
    return %c0_i32, %c0_i32_0 : i32, i32
  }
  func.func @transform_10(%arg0: i32) -> (i32, i32) {
    %c0_i32 = arith.constant 0 : i32
    %c0_i32_0 = arith.constant 0 : i32
    return %arg0, %c0_i32 : i32, i32
  }
}

</mosaic_0001>

<sc_bundles>
// kernel: kernel.11.cloned.1.call-start
scs
__scs_entry_jumppad:
0x0: {  	(pc) =	sbr.rel $0x88, $3  }
0x1: {  	(tag) =	ssettag $0x0;
	lr =	simm.s32 $0x1  }
0x2: {  	[smem:$0x3F95] =	sst lr;
	_ =	strace $0xD0000000  }
0x3: {  	_ = 	snop  }
0x4: {  	_ = 	snop  }
0x5: {  	_ = 	snop  }
0x6: {  	_ = 	snop  }
0x7: {  	_ = 	snop  }
__scs_overlays_trampoline_lowered:
0x8: {  	[smem:$0x3FA4] =	sst s0  }
0x9: {  	[smem:$0x3FA5] =	sst s1  }
0xa: {  	[smem:$0x3FA6] =	sst s2  }
0xb: {  	[smem:$0x3FA7] =	sst s3  }
0xc: {  	[smem:$0x3FA8] =	sst s4  }
0xd: {  	[smem:$0x3FA9] =	sst s5  }
0xe: {  	[smem:$0x3FAA] =	sst s6  }
0xf: {  	[smem:$0x3FAB] =	sst s7  }
0x10: {  	[smem:$0x3FAC] =	sst s8  }
0x11: {  	[smem:$0x3FAD] =	sst s9;
	s0 =	simm.s32 @!p0 $0x0  }
0x12: {  	s1 =	sld [smem:$0x3F93];
	s0 =	simm.s32 @p0 $0x1  }
0x13: {  	[smem:$0x3FAE] =	sst s0;
	s0 =	simm.s32 @!p1 $0x0  }
0x14: {  	s2 =	sld [smem:$0x3F92];
	s0 =	simm.s32 @p1 $0x1  }
0x15: {  	[smem:$0x3FAF] =	sst s0;
	s0 =	simm.s32 @!p2 $0x0  }
0x16: {  	s3 =	sld [smem:$0x3FDB];
	s0 =	simm.s32 @p2 $0x1  }
0x17: {  	s4 =	simm.s32 $0x1BF5;
	[smem:$0x3FB1] =	sst s0  }
0x18: {  	s0 =	sld [smem:$0x3F94];
	_ =	swait.ge [sflag:s4], $0x0  }
0x19: {  	s7 =	sld [smem:$0x3F95]  }
0x1a: {  	s8 =	sadd.s32 $0xFFFFE003, lr  }
0x1b: {  	s9 =	sadd.s32 $0xFFFFFEF7, lr;
	s5 =	simm.s32 $0xFFFFFFFF;
	p2 =	slt.u32 s8, $0xFFFFF086  }
0x1c: {  	p1 =	slt.u32 s9, $0xF7A;
	s5 =	simm.s32 @!p2 $0x0  }
0x1d: {  	s5 =	simm.s32 @p1 $0x1;
	p0 =	seq.s32 s7, s2  }
0x1e: {  	s7 =	smul.u32 @!p0 $0xF7A, s2;
	p2 =	seq.s32 @!p0 s5, $0x0  }
0x1f: {  	s9 =	smul.u32 $0xF7A, s1;
	s8 =	simm.s32 @!p0 $0x1BF5;
	p2 =	por !p2, p0  }
0x20: {  	[sflag:s8] =	ssyncset.s32 @!p0 $0xFFFFF086;
	s6 =	sadd.s32 @!p0 s3, s7;
	s7 =	simm.s32 @!p0 $0x108  }
0x21: {  	s3 =	sadd.s32 s3, s9;
	s6 =	sadd.s32 @!p0 $0x88, s6;
	s7 =	simm.s32 @p2 $0x1082  }
0x22: {  	[simem:s7], [sflag:s8] =	dma.local @!p0 [hbm:s6], $0xF7A  }
0x23: {  	s9 =	sor.u32 $0xD0000000, s2;
	s6 =	simm.s32 $0x108;
	_ =	swait.ge @!p0 [sflag:s8], $0x0  }
0x24: {  	s3 =	sadd.s32 $0x88, s3;
	s6 =	simm.s32 @!p1 $0x1082;
	[sflag:s4] =	ssyncset.s32 $0xFFFFF086  }
0x25: {  	[simem:s6], [sflag:s4] =	dma.local [hbm:s3], $0xF7A  }
0x26: {  	[smem:$0x3F95] =	sst s1;
	(tag) =	ssettag s2;
	_ =	strace s9  }
0x27: {  	s1 =	sld [smem:$0x3FA5]  }
0x28: {  	s2 =	sld [smem:$0x3FA6]  }
0x29: {  	s4 =	sld [smem:$0x3FA8]  }
0x2a: {  	p0 =	seq.s32 s5, $0x0;
	s5 =	sld [smem:$0x3FA9]  }
0x2b: {  	s6 =	sld [smem:$0x3FAA]  }
0x2c: {  	s7 =	sld [smem:$0x3FAB]  }
0x2d: {  	s3 =	simm.s32 $0x108;
	s8 =	sld [smem:$0x3FAC]  }
0x2e: {  	s3 =	simm.s32 @!p0 $0x1082;
	s9 =	sld [smem:$0x3FAD]  }
0x2f: {  	lr =	sadd.s32 s0, s3;
	s0 =	sld [smem:$0x3FA4]  }
0x30: {  	s3 =	sld [smem:$0x3FA7]  }
0x31: {  	[smem:$0x3FB0] =	sst s10  }
0x32: {  	s10 =	sld [smem:$0x3FAE];
	_ =	sdelay $0x3  }
0x33: {  	p0 =	seq.s32 s10, $0x1;
	s10 =	sld [smem:$0x3FB0];
	_ =	sdelay $0x3  }
0x34: {  	[smem:$0x3FB0] =	sst s10  }
0x35: {  	s10 =	sld [smem:$0x3FAF];
	_ =	sdelay $0x3  }
0x36: {  	p1 =	seq.s32 s10, $0x1;
	s10 =	sld [smem:$0x3FB0];
	_ =	sdelay $0x3  }
0x37: {  	[smem:$0x3FB0] =	sst s10  }
0x38: {  	s10 =	sld [smem:$0x3FB1]  }
0x39: {  	_ = 	snop;
	(pc) =	sbr.ind lr, $3  }
0x3a: {  	_ = 	snop  }
0x3b: {  	_ = 	snop  }
0x3c: {  	p2 =	seq.s32 s10, $0x1;
	s10 =	sld [smem:$0x3FB0]  }
0x3d: {  	_ =	shalt  }
0x3e: {  	_ =	shalt  }
0x3f: {  	_ =	shalt  }
0x40: {  	_ =	shalt  }
0x41: {  	_ =	shalt  }
0x42: {  	_ =	shalt  }
0x43: {  	_ =	shalt  }
0x44: {  	_ =	shalt  }
0x45: {  	_ =	shalt  }
0x46: {  	_ =	shalt  }
0x47: {  	_ =	shalt  }
0x48: {  	_ =	shalt  }
0x49: {  	_ =	shalt  }
0x4a: {  	_ =	shalt  }
0x4b: {  	_ =	shalt  }
0x4c: {  	_ =	shalt  }
0x4d: {  	_ =	shalt  }
0x4e: {  	_ =	shalt  }
0x4f: {  	_ =	shalt  }
0x50: {  	_ =	shalt  }
0x51: {  	_ =	shalt  }
0x52: {  	_ =	shalt  }
0x53: {  	_ =	shalt  }
0x54: {  	_ =	shalt  }
0x55: {  	_ =	shalt  }
0x56: {  	_ =	shalt  }
0x57: {  	_ =	shalt  }
0x58: {  	_ =	shalt  }
0x59: {  	_ =	shalt  }
0x5a: {  	_ =	shalt  }
0x5b: {  	_ =	shalt  }
0x5c: {  	_ =	shalt  }
0x5d: {  	_ =	shalt  }
0x5e: {  	_ =	shalt  }
0x5f: {  	_ =	shalt  }
0x60: {  	_ =	shalt  }
0x61: {  	_ =	shalt  }
0x62: {  	_ =	shalt  }
0x63: {  	_ =	shalt  }
0x64: {  	_ =	shalt  }
0x65: {  	_ =	shalt  }
0x66: {  	_ =	shalt  }
0x67: {  	_ =	shalt  }
0x68: {  	_ =	shalt  }
0x69: {  	_ =	shalt  }
0x6a: {  	_ =	shalt  }
0x6b: {  	_ =	shalt  }
0x6c: {  	_ =	shalt  }
0x6d: {  	_ =	shalt  }
0x6e: {  	_ =	shalt  }
0x6f: {  	_ =	shalt  }
0x70: {  	_ =	shalt  }
0x71: {  	_ =	shalt  }
0x72: {  	_ =	shalt  }
0x73: {  	_ =	shalt  }
0x74: {  	_ =	shalt  }
0x75: {  	_ =	shalt  }
0x76: {  	_ =	shalt  }
0x77: {  	_ =	shalt  }
0x78: {  	_ =	shalt  }
0x79: {  	_ =	shalt  }
0x7a: {  	_ =	shalt  }
0x7b: {  	_ =	shalt  }
0x7c: {  	_ =	shalt  }
0x7d: {  	_ =	shalt  }
0x7e: {  	_ =	shalt  }
0x7f: {  	_ =	shalt  }
0x80: {  	_ =	shalt  }
0x81: {  	_ =	shalt  }
0x82: {  	_ =	shalt  }
0x83: {  	_ =	shalt  }
0x84: {  	_ =	shalt  }
0x85: {  	_ =	shalt  }
0x86: {  	_ =	shalt  }
0x87: {  	_ =	shalt  }
.Lfunc_end0:
.L_simem_size_0:
called_computation.1_lowered:
.L_overlay_start_0:
0x88: {  	s2 =	sld [smem:$0x3FD9]  }
0x89: {  	s3 =	sld [smem:$0x3FFE];
	_ =	sdelay $0x1  }
0x8a: {  	s1 =	srdreg.scid  }
0x8b: {  	s0 =	sand.u32 $0x1, s1  }
0x8c: {  	s17 =	sshll.u32 s0, $0xA;
	s2 =	sadd.s32 s3, s2  }
0x8d: {  	s2 =	sadd.s32 s2, s17  }
0x8e: {  	[smem:$0x3FBC] =	sst s2  }
0x8f: {  	_ = 	snop  }
0x90: {  	s2 =	sld [smem:$0x3FD0];
	(tm) =	ssettm $0x1  }
0x91: {  	s18 =	sld [smem:$0x3FFB];
	_ =	sdelay $0x3  }
0x92: {  	_ =	strace s18  }
0x93: {  	s3 =	sld [smem:$0x3FFC];
	_ =	sdelay $0x3  }
0x94: {  	_ =	strace s3  }
0x95: {  	s3 =	sld [smem:$0x3FFD];
	_ =	sdelay $0x3  }
0x96: {  	_ =	strace s3  }
0x97: {  	_ =	strace $0x8FFFFFFF  }
0x98: {  	s19 =	sld [smem:$0x3FDB];
	_ =	sdelay $0x1  }
0x99: {  	s4 =	simm.s32 $_scs_section_size  }
0x9a: {  	s5 =	simm.s32 $_size__tile_overlayer_lowered;
	s6 =	simm.s32 $_tile_overlayer_lowered  }
0x9b: {  	s22 =	simm.s32 $0x1BFF;
	s21 =	sshll.u32 s6, $0x1;
	s3 =	sadd.s32 s4, s19  }
0x9c: {  	s7 =	simm.s32 $0x0;
	s20 =	sshll.u32 s5, $0x1;
	s5 =	sadd.s32 s21, s3  }
0x9d: {  	[timem:s7], [sflag:s22] =	dma.local [hbm:s5], s20  }
0x9e: {  	_ =	swait.ge [sflag:s22], s20  }
0x9f: {  	s4 =	ssub.s32 $0x0, s20;
	[sflag:s22] =	ssyncset.done $0x0  }
0xa0: {  	[sflag:s22] =	ssyncadd.s32 s4;
	_ =	sdelay $0x1  }
0xa1: {  	s23 =	simm.s32 $0x1B8B  }
0xa2: {  	_ =	swait.ge [sflag:s23], $0x1  }
0xa3: {  	[sflag:s23] =	ssyncset.done $0x0  }
0xa4: {  	s25 =	simm.s32 $0x1B8E;
	s24 =	sld [smem:$0x3FFE];
	[sflag:s23] =	ssyncadd.s32 $0xFFFFFFFF  }
0xa5: {  	s26 =	simm.s32 $execute0_lowered;
	[smem:$0x3FD2] =	sst s25  }
0xa6: {  	s5 =	sshll.u32 s26, $0x1;
	_ =	strace $0x80000049;
	[dreg:$0x1] =	wrdreg $0xFFFFFFFF  }
0xa7: {  	s28 =	simm.s32 $_size_execute0_lowered;
	s3 =	sadd.s32 s3, s5;
	[dreg:$0x0] =	wrdreg $0x0  }
0xa8: {  	s5 =	sshll.u32 s28, $0x1;
	[dreg:$0x2] =	wrdreg s3  }
0xa9: {  	[dreg:$0x3] =	wrdreg s5  }
0xaa: {  	[dreg:$0x4] =	wrdreg $0xC0  }
0xab: {  	_ =	task [dreg:s7], $0x5FFFF  }
0xac: {  	[dreg:$0x1] =	wrdreg $0xFFFFFFFF  }
0xad: {  	[dreg:$0x0] =	wrdreg $0x60  }
0xae: {  	[dreg:$0x2] =	wrdreg s24  }
0xaf: {  	[dreg:$0x3] =	wrdreg s2  }
0xb0: {  	[dreg:$0x4] =	wrdreg $0xB8800  }
0xb1: {  	[dreg:$0x5] =	wrdreg $0x1F8800  }
0xb2: {  	[dreg:$0x6] =	wrdreg $0x9  }
0xb3: {  	_ =	task.clear_ibuf [dreg:s7], $0x7FFFF;
	_ =	strace $0x90000049  }
0xb4: {  	s29 =	simm.s32 $0x9;
	_ =	strace $0x8000004B  }
0xb5: {  	_ =	swait.ge [sflag:s29], $0x1  }
0xb6: {  	[sflag:s29] =	ssyncadd.s32 $0xFFFFFFFF  }
0xb7: {  	_ =	strace $0x9000004B  }
0xb8: {  	_ =	sfence  }
0xb9: {  	s30 =	sld [smem:$0x0];
	_ =	sdelay $0x2  }
0xba: {  	s31 =	sshll.u32 s1, $0xD;
	s1 =	sshrl.u32 s1, $0x2  }
0xbb: {  	s3 =	sand.u32 $0x4000, s31;
	s1 =	sadd.s32 s1, s30  }
0xbc: {  	s0 =	sor.u32 s3, s0;
	s1 =	sshll.u32 s1, $0x11  }
0xbd: {  	s0 =	sor.u32 s1, s0  }
0xbe: {  	s0 =	sadd.s32 $0x8F2B, s0  }
0xbf: {  	[sflag:s0] =	ssyncadd.remote.s32 $0x1  }
0xc0: {  	_ =	sfence.sel $0xFFFF  }
0xc1: {  	[dreg:$0x0] =	wrdreg $0xFFFFFFFF;
	(pc) =	sbr.abs _section_cstart, $3  }
0xc2: {  	[dreg:$0x1] =	wrdreg $0xFFFFFFFF  }
0xc3: {  	_ =	task.clear_ibuf [dreg:s7], $0x2FFFF;
	_ =	strace $0x9FFFFFFF  }
0xc4: {  	(tm) =	ssettm $0x7FFFFFFF  }
0xc5: {  	_ =	shalt  }
tec
execute0_lowered:
.L_overlay_start_1:
0x0: {  	(tag) =	ssettag $0x1  }
0x1: {  	s9 =	rddreg [dreg:$0x0]  }
0x2: {  	s10 =	rddreg [dreg:$0x1]  }
0x3: {  	s0 =	srdreg.scid;
	s2 =	rddreg [dreg:$0x2]  }
0x4: {  	s3 =	rddreg [dreg:$0x3];
	s1 =	stileid.u32  }
0x5: {  	s4 =	simm.s32 $0x0;
	s19 =	simm.s32 $0x80;
	s20 =	simm.s32 $0x7800  }
0x6: {  	s21 =	simm.s32 $0xB800;
	s26 =	simm.s32 $0x0;
	s17 =	smul.u32 $0x50000, s1  }
0x7: {  	s11 =	sand.u32 $0x1, s0;
	s0 =	rddreg [dreg:$0x4];
	s18 =	smul.u32 $0xA00, s1  }
0x8: {  	[smem:$0x7FF] =	sst s4;
	s6 =	sadd.s32 $0x92800, s9;
	s23 =	smul.u32 $0x2800, s1  }
0x9: {  	s7 =	sadd.s32 $0x94800, s9;
	s8 =	sadd.s32 $0x97000, s9;
	s25 =	smul.u32 $0xA0, s1  }
0xa: {  	s31 =	sshll.u32 s1, $0x6;
	s12 =	sshll.u32 s11, $0x4;
	_ =	strace $0x8000004A  }
0xb: {  	s15 =	smul.u32 $0x28000, s11;
	s11 =	ssub.s32 $0x2, s11;
	s5 =	sor.u32 s1, s12  }
0xc: {  	s16 =	sshrl.u32 s11, $0x1;
	s12 =	sadd.s32 s12, s9;
	s29 =	sshrl.u32 s17, $0x2  }
0xd: {  	s30 =	sshrl.u32 s18, $0x2;
	s13 =	smul.u32 $0x500, s5;
	s5 =	sadd.s32 $0x40800, s9  }
0xe: {  	s15 =	sadd.s32 s15, s9;
	s16 =	ssub.s32 s11, s16;
	s17 =	sadd.s32 s29, s2  }
0xf: {  	s18 =	sadd.s32 s30, s3;
	s24 =	sadd.s32 $0x90800, s12;
	s22 =	sadd.s32 $0x10FC00, s15  }
0x10: {  	s12 =	smax.u32 s16, $0x1;
	s15 =	simm.s32 $0x5000;
	s16 =	sor.u32 $0x1C01, s31  }
0x11: {  	s17 =	sshrl.u32 s17, $0x3;
	s18 =	sshrl.u32 s18, $0x3;
	s14 =	sadd.s32 s13, s9  }
0x12: {  	s9 =	sadd.s32 s10, s13;
	s13 =	simm.s32 $0x1;
	s22 =	sadd.s32 s23, s22  }
0x13: {  	s23 =	sadd.s32 s25, s24;
	s24 =	simm.s32 $0x20;
	s25 =	simm.s32 $0x10  }
0x14: {  	v0 =	vimm.f32 $1.000000000e+00;
	s10 =	sadd.s32 $0x4800, s14;
	s11 =	sadd.s32 $0xE800, s14;
	s14 =	simm.s32 $0x2800  }
.LBB2_1:
0x15: {  	[tilespmem:s4], [sflag:$0x1] =	stream.linear.gather [hbm4b:s9+s4], $0x2780, $0x38;
	[tilespmem:$0x1FB00] =	vst v63  }
0x16: {  	_ =	swait.ge [sflag:s13], $0x2780  }
0x17: {  	[sflag:s13] =	ssyncset.done $0x0  }
0x18: {  	[sflag:s13] =	ssyncadd.s32 $0xFFFFD880  }
0x19: {  	[tilespmem:s14], [sflag:$0x1] =	stream.linear.gather [hbm4b:s10+s4], $0x2780, $0x38;
	[tilespmem:$0x1FB00] =	vst v63  }
0x1a: {  	_ =	swait.ge [sflag:s13], $0x2780  }
0x1b: {  	[sflag:s13] =	ssyncset.done $0x0  }
0x1c: {  	[sflag:s13] =	ssyncadd.s32 $0xFFFFD880  }
0x1d: {  	[tilespmem:s15], [sflag:$0x1] =	stream.linear.gather [hbm4b:s11+s4], $0x2780, $0x38;
	[tilespmem:$0x1FB00] =	vst v63  }
0x1e: {  	_ =	swait.ge [sflag:s13], $0x2780  }
0x1f: {  	[sflag:s13] =	ssyncset.done $0x0  }
0x20: {  	[sflag:s13] =	ssyncadd.s32 $0xFFFFD880  }
0x21: {  	[spmem:s17], [sflag:s16] =	dma.local [hbm:s7], $0x2800  }
0x22: {  	_ =	swait.ge [sflag:s13], $0x2800  }
0x23: {  	[sflag:s13] =	ssyncset.done $0x0  }
0x24: {  	[sflag:s13] =	ssyncadd.s32 $0xFFFFD800  }
0x25: {  	[spmem:s18], [sflag:s16] =	dma.local [hbm:s8], $0x50  }
0x26: {  	_ =	swait.ge [sflag:s13], $0x50  }
0x27: {  	[sflag:s13] =	ssyncset.done $0x0  }
0x28: {  	[sflag:s13] =	ssyncadd.s32 $0xFFFFFFB0  }
0x29: {  	[tilespmem:$0xB800] =	vst v0  }
0x2a: {  	[tilespmem:$0xB810] =	vst v0  }
0x2b: {  	[tilespmem:$0xB820] =	vst v0  }
0x2c: {  	[tilespmem:$0xB830] =	vst v0  }
0x2d: {  	[tilespmem:$0xB840] =	vst v0  }
0x2e: {  	[tilespmem:$0xB850] =	vst v0  }
0x2f: {  	[tilespmem:$0xB860] =	vst v0  }
0x30: {  	[tilespmem:$0xB870] =	vst v0  }
0x31: {  	s28 =	simm.s32 $0x0;
	[bflag:$0x0] =	sbarrier.arrive $0xFFFF  }
0x32: {  	[tilespmem:s20], [sflag:$0x1] =	stream.indirect.gather [hbm4b:s5+s19], $0x80, s28, s19, $0xb8;
	[tilespmem:$0x1FB00] =	vst v63  }
0x33: {  	_ =	swait.ge [sflag:s13], $0x4000  }
0x34: {  	[sflag:s13] =	ssyncset.done $0x0  }
0x35: {  	s28 =	simm.s32 $0x2800;
	[sflag:s13] =	ssyncadd.s32 $0xFFFFC000  }
0x36: {  	[spmem:s2] =	stream.indirect.scatter.add.f32 [tilespmem:s20], [sflag:$0x1], $0x80, s28, s19, $0xb8;
	[tilespmem:$0x1FB00] =	vst v63  }
0x37: {  	_ =	swait.ge [sflag:s13], $0x4000  }
0x38: {  	[sflag:s13] =	ssyncset.done $0x0  }
0x39: {  	s29 =	simm.s32 $0x5000;
	[sflag:s13] =	ssyncadd.s32 $0xFFFFC000  }
0x3a: {  	[tilespmem:s20], [sflag:$0x1] =	stream.indirect.gather [hbm4b:s6+s19], $0x80, s29, s19, $0xb8;
	[tilespmem:$0x1FB00] =	vst v63  }
0x3b: {  	_ =	swait.ge [sflag:s13], $0x4000  }
0x3c: {  	[sflag:s13] =	ssyncset.done $0x0  }
0x3d: {  	[sflag:s13] =	ssyncadd.s32 $0xFFFFC000  }
0x3e: {  	[spmem:s2] =	stream.indirect.scatter.add.f32 [tilespmem:s20], [sflag:$0x1], $0x80, s28, s19, $0xb8;
	[tilespmem:$0x1FB00] =	vst v63  }
0x3f: {  	_ =	swait.ge [sflag:s13], $0x4000  }
0x40: {  	[sflag:s13] =	ssyncset.done $0x0  }
0x41: {  	[sflag:s13] =	ssyncadd.s32 $0xFFFFC000  }
0x42: {  	[spmem:s3] =	stream.indirect.scatter.add.f32 [tilespmem:s21], [sflag:$0x1], $0x1, s28, s19, $0xb8;
	[tilespmem:$0x1FB00] =	vst v63  }
0x43: {  	_ =	swait.ge [sflag:s13], $0x80  }
0x44: {  	s29 =	simm.s32 $0x400;
	s28 =	simm.s32 $0x200;
	[sflag:s13] =	ssyncset.done $0x0  }
.LBB2_2:
0x45: {  	s30 =	sshra.s32 s28, $0x2  }
0x46: {  	[sflag:s13] =	ssyncadd.s32 $0xFFFFFF80;
	s28 =	smov.u32 s29;
	s31 =	sadd.s32 $0x200, s29  }
0x47: {  	[tilespmem:s20], [sflag:$0x1] =	stream.indirect.gather [hbm4b:s5+s19], $0x80, s30, s19, $0xb8;
	[tilespmem:$0x1FB00] =	vst v63  }
0x48: {  	p0 =	sne.s32 s29, $0x9C00;
	_ =	swait.ge [sflag:s13], $0x4000  }
0x49: {  	[sflag:s13] =	ssyncset.done $0x0  }
0x4a: {  	s29 =	sadd.s32 $0x2800, s30;
	[sflag:s13] =	ssyncadd.s32 $0xFFFFC000  }
0x4b: {  	[spmem:s2] =	stream.indirect.scatter.add.f32 [tilespmem:s20], [sflag:$0x1], $0x80, s29, s19, $0xb8;
	[tilespmem:$0x1FB00] =	vst v63  }
0x4c: {  	_ =	swait.ge [sflag:s13], $0x4000  }
0x4d: {  	[sflag:s13] =	ssyncset.done $0x0  }
0x4e: {  	s30 =	sadd.s32 $0x5000, s30;
	[sflag:s13] =	ssyncadd.s32 $0xFFFFC000  }
0x4f: {  	[tilespmem:s20], [sflag:$0x1] =	stream.indirect.gather [hbm4b:s6+s19], $0x80, s30, s19, $0xb8;
	[tilespmem:$0x1FB00] =	vst v63  }
0x50: {  	_ =	swait.ge [sflag:s13], $0x4000  }
0x51: {  	[sflag:s13] =	ssyncset.done $0x0  }
0x52: {  	[sflag:s13] =	ssyncadd.s32 $0xFFFFC000  }
0x53: {  	[spmem:s2] =	stream.indirect.scatter.add.f32 [tilespmem:s20], [sflag:$0x1], $0x80, s29, s19, $0xb8;
	[tilespmem:$0x1FB00] =	vst v63  }
0x54: {  	_ =	swait.ge [sflag:s13], $0x4000  }
.Ltmp0:
0x55: {  	[sflag:s13] =	ssyncset.done $0x0;
	(pc) =	sbr.rel @p0 .LBB2_2-.Ltmp0, $4  }
0x56: {  	[sflag:s13] =	ssyncadd.s32 $0xFFFFC000  }
0x57: {  	[spmem:s3] =	stream.indirect.scatter.add.f32 [tilespmem:s21], [sflag:$0x1], $0x1, s29, s19, $0xb8;
	[tilespmem:$0x1FB00] =	vst v63  }
0x58: {  	_ =	swait.ge [sflag:s13], $0x80  }
0x59: {  	s29 =	smov.u32 s31;
	[sflag:s13] =	ssyncset.done $0x0  }
0x5a: {  	s28 =	sshra.s32 s28, $0x2;
	[sflag:s13] =	ssyncadd.s32 $0xFFFFFF80  }
0x5b: {  	[tilespmem:s20], [sflag:$0x1] =	stream.indirect.gather [hbm4b:s5+s19], $0x80, s28, s19, $0xb8;
	[tilespmem:$0x1FB00] =	vst v63  }
0x5c: {  	_ =	swait.ge [sflag:s13], $0x4000  }
0x5d: {  	[sflag:s13] =	ssyncset.done $0x0  }
0x5e: {  	s29 =	sadd.s32 $0x2800, s28;
	[sflag:s13] =	ssyncadd.s32 $0xFFFFC000  }
0x5f: {  	[spmem:s2] =	stream.indirect.scatter.add.f32 [tilespmem:s20], [sflag:$0x1], $0x80, s29, s19, $0xb8;
	[tilespmem:$0x1FB00] =	vst v63  }
0x60: {  	_ =	swait.ge [sflag:s13], $0x4000  }
0x61: {  	[sflag:s13] =	ssyncset.done $0x0  }
0x62: {  	s28 =	sadd.s32 $0x5000, s28;
	[sflag:s13] =	ssyncadd.s32 $0xFFFFC000  }
0x63: {  	[tilespmem:s20], [sflag:$0x1] =	stream.indirect.gather [hbm4b:s6+s19], $0x80, s28, s19, $0xb8;
	[tilespmem:$0x1FB00] =	vst v63  }
0x64: {  	_ =	swait.ge [sflag:s13], $0x4000  }
0x65: {  	[sflag:s13] =	ssyncset.done $0x0  }
0x66: {  	[sflag:s13] =	ssyncadd.s32 $0xFFFFC000  }
0x67: {  	[spmem:s2] =	stream.indirect.scatter.add.f32 [tilespmem:s20], [sflag:$0x1], $0x80, s29, s19, $0xb8;
	[tilespmem:$0x1FB00] =	vst v63  }
0x68: {  	_ =	swait.ge [sflag:s13], $0x4000  }
0x69: {  	[sflag:s13] =	ssyncset.done $0x0  }
0x6a: {  	[sflag:s13] =	ssyncadd.s32 $0xFFFFC000  }
0x6b: {  	[spmem:s3] =	stream.indirect.scatter.add.f32 [tilespmem:s21], [sflag:$0x1], $0x1, s29, s19, $0xb8;
	[tilespmem:$0x1FB00] =	vst v63  }
0x6c: {  	_ =	swait.ge [sflag:s13], $0x80  }
0x6d: {  	[sflag:s13] =	ssyncset.done $0x0  }
0x6e: {  	[sflag:s13] =	ssyncadd.s32 $0xFFFFFF80  }
0x6f: {  	[bflag:$0x0] =	sbarrier.arrive $0xFFFF  }
0x70: {  	[hbm:s22], [sflag:s16] =	dma.local [spmem:s17], $0x2800  }
0x71: {  	s26 =	sadd.s32 $0x1, s26;
	_ =	swait.ge [sflag:s13], $0x2800  }
0x72: {  	p0 =	sne.s32 s26, s12;
	[sflag:s13] =	ssyncset.done $0x0  }
.Ltmp1:
0x73: {  	[sflag:s13] =	ssyncadd.s32 $0xFFFFD800;
	(pc) =	sbr.rel @p0 .LBB2_1-.Ltmp1, $4  }
0x74: {  	[hbm:s23@s24], [sflag:s16] =	dma.strided [spmem:s18@s25], $0x50, s13, $0x10   }
0x75: {  	_ =	swait.ge [sflag:s13], $0x50  }
0x76: {  	[sflag:s13] =	ssyncset.done $0x0  }
0x77: {  	[sflag:s13] =	ssyncadd.s32 $0xFFFFFFB0  }
0x78: {  	_ =	sfence.sel $0x180000  }
0x79: {  	[bflag:$0x0] =	sbarrier.arrive $0xFFFF  }
0x7a: {  	p0 =	sne.s32 s1, $0x0;
	_ =	strace $0x9000004A  }
0x7b: {  	s0 =	sadd.s32 @!p0 $0x100000, s0;
	[bflag:$0x2] =	sbarrier.arrive $0xFFFF  }
0x7c: {  	[sflag:s0] =	ssyncadd.tile.s32 @!p0 $0x1;
	_ =	shalt  }
.Lfunc_end2:
_tile_overlayer_lowered:
.L_overlay_start_2:
0x7d: {  	(tag) =	ssettag $0x2  }
0x7e: {  	s0 =	rddreg [dreg:$0x0];
	s2 =	stileid.u32  }
0x7f: {  	s1 =	rddreg [dreg:$0x1];
	p0 =	sne.s32 s2, $0x0  }
0x80: {  	s3 =	rddreg [dreg:$0x2];
	[bflag:$0x3] =	sbarrier.arrive $0xFFFF;
	s2 =	simm.s32 @!p0 $0x1C01  }
0x81: {  	[timem:s3], [sflag:s2] =	dma.local @!p0 [hbm:s0], s1  }
0x82: {  	s0 =	simm.s32 @!p0 $0x1  }
0x83: {  	_ =	swait.ge @!p0 [sflag:s0], s1  }
0x84: {  	s1 =	ssub.s32 @!p0 $0x0, s1;
	[sflag:s0] =	ssyncset.done @!p0 $0x0  }
0x85: {  	[sflag:s0] =	ssyncadd.s32 @!p0 s1  }
0x86: {  	[bflag:$0x3] =	sbarrier.arrive $0xFFFF  }
0x87: {  	_ =	shalt  }

// kernel: kernel.8.cloned.1.call-start
scs
__scs_entry_jumppad:
0x0: {  	(pc) =	sbr.rel $0x88, $3  }
0x1: {  	(tag) =	ssettag $0x0;
	lr =	simm.s32 $0x1  }
0x2: {  	[smem:$0x3F95] =	sst lr;
	_ =	strace $0xD0000000  }
0x3: {  	_ = 	snop  }
0x4: {  	_ = 	snop  }
0x5: {  	_ = 	snop  }
0x6: {  	_ = 	snop  }
0x7: {  	_ = 	snop  }
__scs_overlays_trampoline_lowered:
0x8: {  	[smem:$0x3FA4] =	sst s0  }
0x9: {  	[smem:$0x3FA5] =	sst s1  }
0xa: {  	[smem:$0x3FA6] =	sst s2  }
0xb: {  	[smem:$0x3FA7] =	sst s3  }
0xc: {  	[smem:$0x3FA8] =	sst s4  }
0xd: {  	[smem:$0x3FA9] =	sst s5  }
0xe: {  	[smem:$0x3FAA] =	sst s6  }
0xf: {  	[smem:$0x3FAB] =	sst s7  }
0x10: {  	[smem:$0x3FAC] =	sst s8  }
0x11: {  	[smem:$0x3FAD] =	sst s9;
	s0 =	simm.s32 @!p0 $0x0  }
0x12: {  	s1 =	sld [smem:$0x3F93];
	s0 =	simm.s32 @p0 $0x1  }
0x13: {  	[smem:$0x3FAE] =	sst s0;
	s0 =	simm.s32 @!p1 $0x0  }
0x14: {  	s2 =	sld [smem:$0x3F92];
	s0 =	simm.s32 @p1 $0x1  }
0x15: {  	[smem:$0x3FAF] =	sst s0;
	s0 =	simm.s32 @!p2 $0x0  }
0x16: {  	s3 =	sld [smem:$0x3FDB];
	s0 =	simm.s32 @p2 $0x1  }
0x17: {  	s4 =	simm.s32 $0x1BF5;
	[smem:$0x3FB1] =	sst s0  }
0x18: {  	s0 =	sld [smem:$0x3F94];
	_ =	swait.ge [sflag:s4], $0x0  }
0x19: {  	s7 =	sld [smem:$0x3F95]  }
0x1a: {  	s8 =	sadd.s32 $0xFFFFE003, lr  }
0x1b: {  	s9 =	sadd.s32 $0xFFFFFEF7, lr;
	s5 =	simm.s32 $0xFFFFFFFF;
	p2 =	slt.u32 s8, $0xFFFFF086  }
0x1c: {  	p1 =	slt.u32 s9, $0xF7A;
	s5 =	simm.s32 @!p2 $0x0  }
0x1d: {  	s5 =	simm.s32 @p1 $0x1;
	p0 =	seq.s32 s7, s2  }
0x1e: {  	s7 =	smul.u32 @!p0 $0xF7A, s2;
	p2 =	seq.s32 @!p0 s5, $0x0  }
0x1f: {  	s9 =	smul.u32 $0xF7A, s1;
	s8 =	simm.s32 @!p0 $0x1BF5;
	p2 =	por !p2, p0  }
0x20: {  	[sflag:s8] =	ssyncset.s32 @!p0 $0xFFFFF086;
	s6 =	sadd.s32 @!p0 s3, s7;
	s7 =	simm.s32 @!p0 $0x108  }
0x21: {  	s3 =	sadd.s32 s3, s9;
	s6 =	sadd.s32 @!p0 $0x88, s6;
	s7 =	simm.s32 @p2 $0x1082  }
0x22: {  	[simem:s7], [sflag:s8] =	dma.local @!p0 [hbm:s6], $0xF7A  }
0x23: {  	s9 =	sor.u32 $0xD0000000, s2;
	s6 =	simm.s32 $0x108;
	_ =	swait.ge @!p0 [sflag:s8], $0x0  }
0x24: {  	s3 =	sadd.s32 $0x88, s3;
	s6 =	simm.s32 @!p1 $0x1082;
	[sflag:s4] =	ssyncset.s32 $0xFFFFF086  }
0x25: {  	[simem:s6], [sflag:s4] =	dma.local [hbm:s3], $0xF7A  }
0x26: {  	[smem:$0x3F95] =	sst s1;
	(tag) =	ssettag s2;
	_ =	strace s9  }
0x27: {  	s1 =	sld [smem:$0x3FA5]  }
0x28: {  	s2 =	sld [smem:$0x3FA6]  }
0x29: {  	s4 =	sld [smem:$0x3FA8]  }
0x2a: {  	p0 =	seq.s32 s5, $0x0;
	s5 =	sld [smem:$0x3FA9]  }
0x2b: {  	s6 =	sld [smem:$0x3FAA]  }
0x2c: {  	s7 =	sld [smem:$0x3FAB]  }
0x2d: {  	s3 =	simm.s32 $0x108;
	s8 =	sld [smem:$0x3FAC]  }
0x2e: {  	s3 =	simm.s32 @!p0 $0x1082;
	s9 =	sld [smem:$0x3FAD]  }
0x2f: {  	lr =	sadd.s32 s0, s3;
	s0 =	sld [smem:$0x3FA4]  }
0x30: {  	s3 =	sld [smem:$0x3FA7]  }
0x31: {  	[smem:$0x3FB0] =	sst s10  }
0x32: {  	s10 =	sld [smem:$0x3FAE];
	_ =	sdelay $0x3  }
0x33: {  	p0 =	seq.s32 s10, $0x1;
	s10 =	sld [smem:$0x3FB0];
	_ =	sdelay $0x3  }
0x34: {  	[smem:$0x3FB0] =	sst s10  }
0x35: {  	s10 =	sld [smem:$0x3FAF];
	_ =	sdelay $0x3  }
0x36: {  	p1 =	seq.s32 s10, $0x1;
	s10 =	sld [smem:$0x3FB0];
	_ =	sdelay $0x3  }
0x37: {  	[smem:$0x3FB0] =	sst s10  }
0x38: {  	s10 =	sld [smem:$0x3FB1]  }
0x39: {  	_ = 	snop;
	(pc) =	sbr.ind lr, $3  }
0x3a: {  	_ = 	snop  }
0x3b: {  	_ = 	snop  }
0x3c: {  	p2 =	seq.s32 s10, $0x1;
	s10 =	sld [smem:$0x3FB0]  }
0x3d: {  	_ =	shalt  }
0x3e: {  	_ =	shalt  }
0x3f: {  	_ =	shalt  }
0x40: {  	_ =	shalt  }
0x41: {  	_ =	shalt  }
0x42: {  	_ =	shalt  }
0x43: {  	_ =	shalt  }
0x44: {  	_ =	shalt  }
0x45: {  	_ =	shalt  }
0x46: {  	_ =	shalt  }
0x47: {  	_ =	shalt  }
0x48: {  	_ =	shalt  }
0x49: {  	_ =	shalt  }
0x4a: {  	_ =	shalt  }
0x4b: {  	_ =	shalt  }
0x4c: {  	_ =	shalt  }
0x4d: {  	_ =	shalt  }
0x4e: {  	_ =	shalt  }
0x4f: {  	_ =	shalt  }
0x50: {  	_ =	shalt  }
0x51: {  	_ =	shalt  }
0x52: {  	_ =	shalt  }
0x53: {  	_ =	shalt  }
0x54: {  	_ =	shalt  }
0x55: {  	_ =	shalt  }
0x56: {  	_ =	shalt  }
0x57: {  	_ =	shalt  }
0x58: {  	_ =	shalt  }
0x59: {  	_ =	shalt  }
0x5a: {  	_ =	shalt  }
0x5b: {  	_ =	shalt  }
0x5c: {  	_ =	shalt  }
0x5d: {  	_ =	shalt  }
0x5e: {  	_ =	shalt  }
0x5f: {  	_ =	shalt  }
0x60: {  	_ =	shalt  }
0x61: {  	_ =	shalt  }
0x62: {  	_ =	shalt  }
0x63: {  	_ =	shalt  }
0x64: {  	_ =	shalt  }
0x65: {  	_ =	shalt  }
0x66: {  	_ =	shalt  }
0x67: {  	_ =	shalt  }
0x68: {  	_ =	shalt  }
0x69: {  	_ =	shalt  }
0x6a: {  	_ =	shalt  }
0x6b: {  	_ =	shalt  }
0x6c: {  	_ =	shalt  }
0x6d: {  	_ =	shalt  }
0x6e: {  	_ =	shalt  }
0x6f: {  	_ =	shalt  }
0x70: {  	_ =	shalt  }
0x71: {  	_ =	shalt  }
0x72: {  	_ =	shalt  }
0x73: {  	_ =	shalt  }
0x74: {  	_ =	shalt  }
0x75: {  	_ =	shalt  }
0x76: {  	_ =	shalt  }
0x77: {  	_ =	shalt  }
0x78: {  	_ =	shalt  }
0x79: {  	_ =	shalt  }
0x7a: {  	_ =	shalt  }
0x7b: {  	_ =	shalt  }
0x7c: {  	_ =	shalt  }
0x7d: {  	_ =	shalt  }
0x7e: {  	_ =	shalt  }
0x7f: {  	_ =	shalt  }
0x80: {  	_ =	shalt  }
0x81: {  	_ =	shalt  }
0x82: {  	_ =	shalt  }
0x83: {  	_ =	shalt  }
0x84: {  	_ =	shalt  }
0x85: {  	_ =	shalt  }
0x86: {  	_ =	shalt  }
0x87: {  	_ =	shalt  }
.Lfunc_end0:
.L_simem_size_0:
called_computation_lowered:
.L_overlay_start_0:
0x88: {  	s2 =	sld [smem:$0x3FD9]  }
0x89: {  	s3 =	sld [smem:$0x3FFE];
	_ =	sdelay $0x1  }
0x8a: {  	s1 =	srdreg.scid  }
0x8b: {  	s0 =	sand.u32 $0x1, s1  }
0x8c: {  	s17 =	sshll.u32 s0, $0xA;
	s2 =	sadd.s32 s3, s2  }
0x8d: {  	s2 =	sadd.s32 s2, s17  }
0x8e: {  	[smem:$0x3FBC] =	sst s2  }
0x8f: {  	_ = 	snop  }
0x90: {  	s2 =	sld [smem:$0x3FD0];
	(tm) =	ssettm $0x1  }
0x91: {  	s18 =	sld [smem:$0x3FFB];
	_ =	sdelay $0x3  }
0x92: {  	_ =	strace s18  }
0x93: {  	s3 =	sld [smem:$0x3FFC];
	_ =	sdelay $0x3  }
0x94: {  	_ =	strace s3  }
0x95: {  	s3 =	sld [smem:$0x3FFD];
	_ =	sdelay $0x3  }
0x96: {  	_ =	strace s3  }
0x97: {  	_ =	strace $0x8FFFFFFF  }
0x98: {  	s19 =	sld [smem:$0x3FDB];
	_ =	sdelay $0x1  }
0x99: {  	s4 =	simm.s32 $_scs_section_size  }
0x9a: {  	s5 =	simm.s32 $_size__tile_overlayer_lowered;
	s6 =	simm.s32 $_tile_overlayer_lowered  }
0x9b: {  	s22 =	simm.s32 $0x1BFF;
	s21 =	sshll.u32 s6, $0x1;
	s3 =	sadd.s32 s4, s19  }
0x9c: {  	s7 =	simm.s32 $0x0;
	s20 =	sshll.u32 s5, $0x1;
	s5 =	sadd.s32 s21, s3  }
0x9d: {  	[timem:s7], [sflag:s22] =	dma.local [hbm:s5], s20  }
0x9e: {  	_ =	swait.ge [sflag:s22], s20  }
0x9f: {  	s4 =	ssub.s32 $0x0, s20;
	[sflag:s22] =	ssyncset.done $0x0  }
0xa0: {  	[sflag:s22] =	ssyncadd.s32 s4;
	_ =	sdelay $0x1  }
0xa1: {  	s23 =	simm.s32 $0x1B8B  }
0xa2: {  	_ =	swait.ge [sflag:s23], $0x1  }
0xa3: {  	[sflag:s23] =	ssyncset.done $0x0  }
0xa4: {  	s25 =	simm.s32 $0x1B8E;
	s24 =	sld [smem:$0x3FFE];
	[sflag:s23] =	ssyncadd.s32 $0xFFFFFFFF  }
0xa5: {  	s26 =	simm.s32 $execute0_lowered;
	[smem:$0x3FD2] =	sst s25  }
0xa6: {  	s5 =	sshll.u32 s26, $0x1;
	_ =	strace $0x80000046;
	[dreg:$0x1] =	wrdreg $0xFFFFFFFF  }
0xa7: {  	s28 =	simm.s32 $_size_execute0_lowered;
	s3 =	sadd.s32 s3, s5;
	[dreg:$0x0] =	wrdreg $0x0  }
0xa8: {  	s5 =	sshll.u32 s28, $0x1;
	[dreg:$0x2] =	wrdreg s3  }
0xa9: {  	[dreg:$0x3] =	wrdreg s5  }
0xaa: {  	[dreg:$0x4] =	wrdreg $0xC0  }
0xab: {  	_ =	task [dreg:s7], $0x5FFFF  }
0xac: {  	[dreg:$0x1] =	wrdreg $0xFFFFFFFF  }
0xad: {  	[dreg:$0x0] =	wrdreg $0x60  }
0xae: {  	[dreg:$0x2] =	wrdreg s24  }
0xaf: {  	[dreg:$0x3] =	wrdreg s2  }
0xb0: {  	[dreg:$0x4] =	wrdreg $0xB8800  }
0xb1: {  	[dreg:$0x5] =	wrdreg $0x1F8800  }
0xb2: {  	[dreg:$0x6] =	wrdreg $0x9  }
0xb3: {  	_ =	task.clear_ibuf [dreg:s7], $0x7FFFF;
	_ =	strace $0x90000046  }
0xb4: {  	s29 =	simm.s32 $0x9;
	_ =	strace $0x80000048  }
0xb5: {  	_ =	swait.ge [sflag:s29], $0x1  }
0xb6: {  	[sflag:s29] =	ssyncadd.s32 $0xFFFFFFFF  }
0xb7: {  	_ =	strace $0x90000048  }
0xb8: {  	_ =	sfence  }
0xb9: {  	s30 =	sld [smem:$0x0];
	_ =	sdelay $0x2  }
0xba: {  	s31 =	sshll.u32 s1, $0xD;
	s1 =	sshrl.u32 s1, $0x2  }
0xbb: {  	s3 =	sand.u32 $0x4000, s31;
	s1 =	sadd.s32 s1, s30  }
0xbc: {  	s0 =	sor.u32 s3, s0;
	s1 =	sshll.u32 s1, $0x11  }
0xbd: {  	s0 =	sor.u32 s1, s0  }
0xbe: {  	s0 =	sadd.s32 $0x8F2B, s0  }
0xbf: {  	[sflag:s0] =	ssyncadd.remote.s32 $0x1  }
0xc0: {  	_ =	sfence.sel $0xFFFF  }
0xc1: {  	[dreg:$0x0] =	wrdreg $0xFFFFFFFF;
	(pc) =	sbr.abs _section_cstart, $3  }
0xc2: {  	[dreg:$0x1] =	wrdreg $0xFFFFFFFF  }
0xc3: {  	_ =	task.clear_ibuf [dreg:s7], $0x2FFFF;
	_ =	strace $0x9FFFFFFF  }
0xc4: {  	(tm) =	ssettm $0x7FFFFFFF  }
0xc5: {  	_ =	shalt  }
tec
execute0_lowered:
.L_overlay_start_1:
0x0: {  	(tag) =	ssettag $0x1  }
0x1: {  	s9 =	rddreg [dreg:$0x0]  }
0x2: {  	s10 =	rddreg [dreg:$0x1]  }
0x3: {  	s0 =	srdreg.scid;
	s2 =	rddreg [dreg:$0x2]  }
0x4: {  	s3 =	rddreg [dreg:$0x3];
	s1 =	stileid.u32  }
0x5: {  	s4 =	simm.s32 $0x0;
	s19 =	simm.s32 $0x80;
	s20 =	simm.s32 $0x7800  }
0x6: {  	s21 =	simm.s32 $0xB800;
	s26 =	simm.s32 $0x0;
	s17 =	smul.u32 $0x50000, s1  }
0x7: {  	s11 =	sand.u32 $0x1, s0;
	s0 =	rddreg [dreg:$0x4];
	s18 =	smul.u32 $0xA00, s1  }
0x8: {  	[smem:$0x7FF] =	sst s4;
	s6 =	sadd.s32 $0x90800, s9;
	s23 =	smul.u32 $0x2800, s1  }
0x9: {  	s7 =	sadd.s32 $0x94800, s9;
	s8 =	sadd.s32 $0x97000, s9;
	s25 =	smul.u32 $0xA0, s1  }
0xa: {  	s31 =	sshll.u32 s1, $0x6;
	s12 =	sshll.u32 s11, $0x4;
	_ =	strace $0x80000047  }
0xb: {  	s15 =	smul.u32 $0x28000, s11;
	s11 =	ssub.s32 $0x2, s11;
	s5 =	sor.u32 s1, s12  }
0xc: {  	s16 =	sshrl.u32 s11, $0x1;
	s12 =	sadd.s32 s12, s9;
	s29 =	sshrl.u32 s17, $0x2  }
0xd: {  	s30 =	sshrl.u32 s18, $0x2;
	s13 =	smul.u32 $0x500, s5;
	s5 =	sadd.s32 $0x18800, s9  }
0xe: {  	s15 =	sadd.s32 s15, s9;
	s16 =	ssub.s32 s11, s16;
	s17 =	sadd.s32 s29, s2  }
0xf: {  	s18 =	sadd.s32 s30, s3;
	s24 =	sadd.s32 $0x97200, s12;
	s22 =	sadd.s32 $0x97C00, s15  }
0x10: {  	s12 =	smax.u32 s16, $0x1;
	s15 =	simm.s32 $0x5000;
	s16 =	sor.u32 $0x1C01, s31  }
0x11: {  	s17 =	sshrl.u32 s17, $0x3;
	s18 =	sshrl.u32 s18, $0x3;
	s14 =	sadd.s32 s13, s9  }
0x12: {  	s9 =	sadd.s32 s10, s13;
	s13 =	simm.s32 $0x1;
	s22 =	sadd.s32 s23, s22  }
0x13: {  	s23 =	sadd.s32 s25, s24;
	s24 =	simm.s32 $0x20;
	s25 =	simm.s32 $0x10  }
0x14: {  	v0 =	vimm.f32 $1.000000000e+00;
	s10 =	sadd.s32 $0x4800, s14;
	s11 =	sadd.s32 $0xE800, s14;
	s14 =	simm.s32 $0x2800  }
.LBB2_1:
0x15: {  	[tilespmem:s4], [sflag:$0x1] =	stream.linear.gather [hbm4b:s9+s4], $0x2780, $0x38;
	[tilespmem:$0x1FB00] =	vst v63  }
0x16: {  	_ =	swait.ge [sflag:s13], $0x2780  }
0x17: {  	[sflag:s13] =	ssyncset.done $0x0  }
0x18: {  	[sflag:s13] =	ssyncadd.s32 $0xFFFFD880  }
0x19: {  	[tilespmem:s14], [sflag:$0x1] =	stream.linear.gather [hbm4b:s10+s4], $0x2780, $0x38;
	[tilespmem:$0x1FB00] =	vst v63  }
0x1a: {  	_ =	swait.ge [sflag:s13], $0x2780  }
0x1b: {  	[sflag:s13] =	ssyncset.done $0x0  }
0x1c: {  	[sflag:s13] =	ssyncadd.s32 $0xFFFFD880  }
0x1d: {  	[tilespmem:s15], [sflag:$0x1] =	stream.linear.gather [hbm4b:s11+s4], $0x2780, $0x38;
	[tilespmem:$0x1FB00] =	vst v63  }
0x1e: {  	_ =	swait.ge [sflag:s13], $0x2780  }
0x1f: {  	[sflag:s13] =	ssyncset.done $0x0  }
0x20: {  	[sflag:s13] =	ssyncadd.s32 $0xFFFFD880  }
0x21: {  	[spmem:s17], [sflag:s16] =	dma.local [hbm:s7], $0x2800  }
0x22: {  	_ =	swait.ge [sflag:s13], $0x2800  }
0x23: {  	[sflag:s13] =	ssyncset.done $0x0  }
0x24: {  	[sflag:s13] =	ssyncadd.s32 $0xFFFFD800  }
0x25: {  	[spmem:s18], [sflag:s16] =	dma.local [hbm:s8], $0x50  }
0x26: {  	_ =	swait.ge [sflag:s13], $0x50  }
0x27: {  	[sflag:s13] =	ssyncset.done $0x0  }
0x28: {  	[sflag:s13] =	ssyncadd.s32 $0xFFFFFFB0  }
0x29: {  	[tilespmem:$0xB800] =	vst v0  }
0x2a: {  	[tilespmem:$0xB810] =	vst v0  }
0x2b: {  	[tilespmem:$0xB820] =	vst v0  }
0x2c: {  	[tilespmem:$0xB830] =	vst v0  }
0x2d: {  	[tilespmem:$0xB840] =	vst v0  }
0x2e: {  	[tilespmem:$0xB850] =	vst v0  }
0x2f: {  	[tilespmem:$0xB860] =	vst v0  }
0x30: {  	[tilespmem:$0xB870] =	vst v0  }
0x31: {  	s28 =	simm.s32 $0x0;
	[bflag:$0x0] =	sbarrier.arrive $0xFFFF  }
0x32: {  	[tilespmem:s20], [sflag:$0x1] =	stream.indirect.gather [hbm4b:s5+s19], $0x80, s28, s19, $0xb8;
	[tilespmem:$0x1FB00] =	vst v63  }
0x33: {  	_ =	swait.ge [sflag:s13], $0x4000  }
0x34: {  	[sflag:s13] =	ssyncset.done $0x0  }
0x35: {  	s28 =	simm.s32 $0x2800;
	[sflag:s13] =	ssyncadd.s32 $0xFFFFC000  }
0x36: {  	[spmem:s2] =	stream.indirect.scatter.add.f32 [tilespmem:s20], [sflag:$0x1], $0x80, s28, s19, $0xb8;
	[tilespmem:$0x1FB00] =	vst v63  }
0x37: {  	_ =	swait.ge [sflag:s13], $0x4000  }
0x38: {  	[sflag:s13] =	ssyncset.done $0x0  }
0x39: {  	s29 =	simm.s32 $0x5000;
	[sflag:s13] =	ssyncadd.s32 $0xFFFFC000  }
0x3a: {  	[tilespmem:s20], [sflag:$0x1] =	stream.indirect.gather [hbm4b:s6+s19], $0x80, s29, s19, $0xb8;
	[tilespmem:$0x1FB00] =	vst v63  }
0x3b: {  	_ =	swait.ge [sflag:s13], $0x4000  }
0x3c: {  	[sflag:s13] =	ssyncset.done $0x0  }
0x3d: {  	[sflag:s13] =	ssyncadd.s32 $0xFFFFC000  }
0x3e: {  	[spmem:s2] =	stream.indirect.scatter.add.f32 [tilespmem:s20], [sflag:$0x1], $0x80, s28, s19, $0xb8;
	[tilespmem:$0x1FB00] =	vst v63  }
0x3f: {  	_ =	swait.ge [sflag:s13], $0x4000  }
0x40: {  	[sflag:s13] =	ssyncset.done $0x0  }
0x41: {  	[sflag:s13] =	ssyncadd.s32 $0xFFFFC000  }
0x42: {  	[spmem:s3] =	stream.indirect.scatter.add.f32 [tilespmem:s21], [sflag:$0x1], $0x1, s28, s19, $0xb8;
	[tilespmem:$0x1FB00] =	vst v63  }
0x43: {  	_ =	swait.ge [sflag:s13], $0x80  }
0x44: {  	s29 =	simm.s32 $0x400;
	s28 =	simm.s32 $0x200;
	[sflag:s13] =	ssyncset.done $0x0  }
.LBB2_2:
0x45: {  	s30 =	sshra.s32 s28, $0x2  }
0x46: {  	[sflag:s13] =	ssyncadd.s32 $0xFFFFFF80;
	s28 =	smov.u32 s29;
	s31 =	sadd.s32 $0x200, s29  }
0x47: {  	[tilespmem:s20], [sflag:$0x1] =	stream.indirect.gather [hbm4b:s5+s19], $0x80, s30, s19, $0xb8;
	[tilespmem:$0x1FB00] =	vst v63  }
0x48: {  	p0 =	sne.s32 s29, $0x9C00;
	_ =	swait.ge [sflag:s13], $0x4000  }
0x49: {  	[sflag:s13] =	ssyncset.done $0x0  }
0x4a: {  	s29 =	sadd.s32 $0x2800, s30;
	[sflag:s13] =	ssyncadd.s32 $0xFFFFC000  }
0x4b: {  	[spmem:s2] =	stream.indirect.scatter.add.f32 [tilespmem:s20], [sflag:$0x1], $0x80, s29, s19, $0xb8;
	[tilespmem:$0x1FB00] =	vst v63  }
0x4c: {  	_ =	swait.ge [sflag:s13], $0x4000  }
0x4d: {  	[sflag:s13] =	ssyncset.done $0x0  }
0x4e: {  	s30 =	sadd.s32 $0x5000, s30;
	[sflag:s13] =	ssyncadd.s32 $0xFFFFC000  }
0x4f: {  	[tilespmem:s20], [sflag:$0x1] =	stream.indirect.gather [hbm4b:s6+s19], $0x80, s30, s19, $0xb8;
	[tilespmem:$0x1FB00] =	vst v63  }
0x50: {  	_ =	swait.ge [sflag:s13], $0x4000  }
0x51: {  	[sflag:s13] =	ssyncset.done $0x0  }
0x52: {  	[sflag:s13] =	ssyncadd.s32 $0xFFFFC000  }
0x53: {  	[spmem:s2] =	stream.indirect.scatter.add.f32 [tilespmem:s20], [sflag:$0x1], $0x80, s29, s19, $0xb8;
	[tilespmem:$0x1FB00] =	vst v63  }
0x54: {  	_ =	swait.ge [sflag:s13], $0x4000  }
.Ltmp0:
0x55: {  	[sflag:s13] =	ssyncset.done $0x0;
	(pc) =	sbr.rel @p0 .LBB2_2-.Ltmp0, $4  }
0x56: {  	[sflag:s13] =	ssyncadd.s32 $0xFFFFC000  }
0x57: {  	[spmem:s3] =	stream.indirect.scatter.add.f32 [tilespmem:s21], [sflag:$0x1], $0x1, s29, s19, $0xb8;
	[tilespmem:$0x1FB00] =	vst v63  }
0x58: {  	_ =	swait.ge [sflag:s13], $0x80  }
0x59: {  	s29 =	smov.u32 s31;
	[sflag:s13] =	ssyncset.done $0x0  }
0x5a: {  	s28 =	sshra.s32 s28, $0x2;
	[sflag:s13] =	ssyncadd.s32 $0xFFFFFF80  }
0x5b: {  	[tilespmem:s20], [sflag:$0x1] =	stream.indirect.gather [hbm4b:s5+s19], $0x80, s28, s19, $0xb8;
	[tilespmem:$0x1FB00] =	vst v63  }
0x5c: {  	_ =	swait.ge [sflag:s13], $0x4000  }
0x5d: {  	[sflag:s13] =	ssyncset.done $0x0  }
0x5e: {  	s29 =	sadd.s32 $0x2800, s28;
	[sflag:s13] =	ssyncadd.s32 $0xFFFFC000  }
0x5f: {  	[spmem:s2] =	stream.indirect.scatter.add.f32 [tilespmem:s20], [sflag:$0x1], $0x80, s29, s19, $0xb8;
	[tilespmem:$0x1FB00] =	vst v63  }
0x60: {  	_ =	swait.ge [sflag:s13], $0x4000  }
0x61: {  	[sflag:s13] =	ssyncset.done $0x0  }
0x62: {  	s28 =	sadd.s32 $0x5000, s28;
	[sflag:s13] =	ssyncadd.s32 $0xFFFFC000  }
0x63: {  	[tilespmem:s20], [sflag:$0x1] =	stream.indirect.gather [hbm4b:s6+s19], $0x80, s28, s19, $0xb8;
	[tilespmem:$0x1FB00] =	vst v63  }
0x64: {  	_ =	swait.ge [sflag:s13], $0x4000  }
0x65: {  	[sflag:s13] =	ssyncset.done $0x0  }
0x66: {  	[sflag:s13] =	ssyncadd.s32 $0xFFFFC000  }
0x67: {  	[spmem:s2] =	stream.indirect.scatter.add.f32 [tilespmem:s20], [sflag:$0x1], $0x80, s29, s19, $0xb8;
	[tilespmem:$0x1FB00] =	vst v63  }
0x68: {  	_ =	swait.ge [sflag:s13], $0x4000  }
0x69: {  	[sflag:s13] =	ssyncset.done $0x0  }
0x6a: {  	[sflag:s13] =	ssyncadd.s32 $0xFFFFC000  }
0x6b: {  	[spmem:s3] =	stream.indirect.scatter.add.f32 [tilespmem:s21], [sflag:$0x1], $0x1, s29, s19, $0xb8;
	[tilespmem:$0x1FB00] =	vst v63  }
0x6c: {  	_ =	swait.ge [sflag:s13], $0x80  }
0x6d: {  	[sflag:s13] =	ssyncset.done $0x0  }
0x6e: {  	[sflag:s13] =	ssyncadd.s32 $0xFFFFFF80  }
0x6f: {  	[bflag:$0x0] =	sbarrier.arrive $0xFFFF  }
0x70: {  	[hbm:s22], [sflag:s16] =	dma.local [spmem:s17], $0x2800  }
0x71: {  	s26 =	sadd.s32 $0x1, s26;
	_ =	swait.ge [sflag:s13], $0x2800  }
0x72: {  	p0 =	sne.s32 s26, s12;
	[sflag:s13] =	ssyncset.done $0x0  }
.Ltmp1:
0x73: {  	[sflag:s13] =	ssyncadd.s32 $0xFFFFD800;
	(pc) =	sbr.rel @p0 .LBB2_1-.Ltmp1, $4  }
0x74: {  	[hbm:s23@s24], [sflag:s16] =	dma.strided [spmem:s18@s25], $0x50, s13, $0x10   }
0x75: {  	_ =	swait.ge [sflag:s13], $0x50  }
0x76: {  	[sflag:s13] =	ssyncset.done $0x0  }
0x77: {  	[sflag:s13] =	ssyncadd.s32 $0xFFFFFFB0  }
0x78: {  	_ =	sfence.sel $0x180000  }
0x79: {  	[bflag:$0x0] =	sbarrier.arrive $0xFFFF  }
0x7a: {  	p0 =	sne.s32 s1, $0x0;
	_ =	strace $0x90000047  }
0x7b: {  	s0 =	sadd.s32 @!p0 $0x100000, s0;
	[bflag:$0x2] =	sbarrier.arrive $0xFFFF  }
0x7c: {  	[sflag:s0] =	ssyncadd.tile.s32 @!p0 $0x1;
	_ =	shalt  }
.Lfunc_end2:
_tile_overlayer_lowered:
.L_overlay_start_2:
0x7d: {  	(tag) =	ssettag $0x2  }
0x7e: {  	s0 =	rddreg [dreg:$0x0];
	s2 =	stileid.u32  }
0x7f: {  	s1 =	rddreg [dreg:$0x1];
	p0 =	sne.s32 s2, $0x0  }
0x80: {  	s3 =	rddreg [dreg:$0x2];
	[bflag:$0x3] =	sbarrier.arrive $0xFFFF;
	s2 =	simm.s32 @!p0 $0x1C01  }
0x81: {  	[timem:s3], [sflag:s2] =	dma.local @!p0 [hbm:s0], s1  }
0x82: {  	s0 =	simm.s32 @!p0 $0x1  }
0x83: {  	_ =	swait.ge @!p0 [sflag:s0], s1  }
0x84: {  	s1 =	ssub.s32 @!p0 $0x0, s1;
	[sflag:s0] =	ssyncset.done @!p0 $0x0  }
0x85: {  	[sflag:s0] =	ssyncadd.s32 @!p0 s1  }
0x86: {  	[bflag:$0x3] =	sbarrier.arrive $0xFFFF  }
0x87: {  	_ =	shalt  }

</sc_bundles>
